<compile_context>
chip_gen: v7x
topology: tpu7x:2x2x1
jax: 0.10.2.dev20260603
libtpu: 0.0.44.dev20260713+nightly
codegen_flags: <defaults>
</compile_context>

<pallas_src>
import functools

import jax
import jax.numpy as jnp
from jax import lax
from jax.experimental import pallas as pl
from jax.experimental.pallas import tpu as pltpu
from jax.experimental.pallas import tpu_sc as plsc

N = 10000
N_ACC = 10112
E = 320000
D = 128
CHUNK = 80
ROWS = E // CHUNK
NW = 32
KPW = ROWS // NW


def _sc_aggregate(h, ei1d, attr2d):
    mesh = plsc.VectorSubcoreMesh(core_axis_name="c", subcore_axis_name="s")

    @functools.partial(
        pl.kernel,
        mesh=mesh,
        out_type=jax.ShapeDtypeStruct((2, N_ACC, D), jnp.float32),
        scratch_types=[
            pltpu.VMEM((4, CHUNK), jnp.int32),
            pltpu.VMEM((4, CHUNK), jnp.int32),
            pltpu.VMEM((4, CHUNK, D), jnp.float32),
            pltpu.VMEM_SHARED((N_ACC, D), jnp.float32),
            pltpu.SemaphoreType.DMA,
            pltpu.SemaphoreType.DMA,
            pltpu.SemaphoreType.DMA,
            pltpu.SemaphoreType.DMA,
        ],
    )
    def k(h_hbm, ei_hbm, attr_hbm, out_hbm,
          src_v, dst_v, attr_v, aggr_sh, sem_g, sem_a, sem_i, sem_s):
        c = lax.axis_index("c")
        s = lax.axis_index("s")
        w = c * 16 + s

        def zrow(i, carry2):
            for j in range(D // 16):
                attr_v[0, i, pl.ds(j * 16, 16)] = jnp.zeros((16,),
                                                            jnp.float32)
            return carry2

        lax.fori_loop(0, CHUNK, zrow, 0)
        rows_per_tile = N_ACC // 16
        base = s * rows_per_tile
        for kk in range(rows_per_tile // CHUNK):
            pltpu.sync_copy(attr_v.at[0],
                            aggr_sh.at[pl.ds(base + kk * CHUNK, CHUNK)])
        rem = rows_per_tile % CHUNK
        if rem:
            pltpu.sync_copy(
                attr_v.at[0].at[pl.ds(0, rem)],
                aggr_sh.at[pl.ds(base + rows_per_tile - rem, rem)])
        plsc.subcore_barrier()

        start = w * KPW
        end = start + KPW

        def issue_idx(r):
            p = r % 4
            pltpu.async_copy(ei_hbm.at[pl.ds(r * CHUNK, CHUNK)],
                             src_v.at[p], sem_i)
            pltpu.async_copy(ei_hbm.at[pl.ds(E + r * CHUNK, CHUNK)],
                             dst_v.at[p], sem_i)

        def wait_idx(r):
            p = r % 4
            pltpu.make_async_copy(ei_hbm.at[pl.ds(r * CHUNK, CHUNK)],
                                  src_v.at[p], sem_i).wait()
            pltpu.make_async_copy(ei_hbm.at[pl.ds(E + r * CHUNK, CHUNK)],
                                  dst_v.at[p], sem_i).wait()

        def issue_gather_add(r):
            p = r % 4
            pltpu.async_copy(h_hbm.at[src_v.at[p]], attr_v.at[p], sem_g,
                             add=True)

        def wait_gather_add(r):
            p = r % 4
            pltpu.make_async_copy(h_hbm.at[src_v.at[p]], attr_v.at[p],
                                  sem_g).wait()

        def issue_attr(r):
            p = r % 4
            pltpu.async_copy(attr_hbm.at[pl.ds(r * CHUNK, CHUNK)],
                             attr_v.at[p], sem_a)

        def wait_attr(r):
            p = r % 4
            pltpu.make_async_copy(attr_hbm.at[pl.ds(r * CHUNK, CHUNK)],
                                  attr_v.at[p], sem_a).wait()

        def issue_scatter(r):
            p = r % 4
            pltpu.async_copy(attr_v.at[p], aggr_sh.at[dst_v.at[p]], sem_s,
                             add=True)

        def wait_scatter(r):
            p = r % 4
            pltpu.make_async_copy(attr_v.at[p], aggr_sh.at[dst_v.at[p]],
                                  sem_s).wait()

        issue_idx(start)
        issue_attr(start)
        issue_idx(start + 1)
        issue_attr(start + 1)

        def body(r, carry):
            @pl.when(r - 2 >= start)
            def _():
                wait_scatter(r - 2)

            @pl.when(r + 2 < end)
            def _():
                issue_idx(r + 2)
                issue_attr(r + 2)

            wait_attr(r)
            wait_idx(r)
            issue_gather_add(r)

            @pl.when(r - 1 >= start)
            def _():
                wait_gather_add(r - 1)
                issue_scatter(r - 1)

            return carry

        lax.fori_loop(start, end, body, 0)
        wait_gather_add(end - 1)
        issue_scatter(end - 1)
        wait_scatter(end - 2)
        wait_scatter(end - 1)
        plsc.subcore_barrier()

        pltpu.sync_copy(aggr_sh.at[pl.ds(s * rows_per_tile, rows_per_tile)],
                        out_hbm.at[c, pl.ds(s * rows_per_tile, rows_per_tile)])

    return k(h, ei1d, attr2d)


def _tc_mlp_body(h_ref, p_ref, w1_ref, b1_ref, w2_ref, b2_ref, eps_ref,
                 out_ref):
    aggr = p_ref[0] + p_ref[1]
    hid = jnp.dot(aggr, w1_ref[...], preferred_element_type=jnp.float32)
    hid = jnp.maximum(hid + b1_ref[...], 0.0)
    out = jnp.dot(hid, w2_ref[...], preferred_element_type=jnp.float32)
    out_ref[...] = (1.0 + eps_ref[0]) * h_ref[...] + out + b2_ref[...]


def _tc_mlp(h, partials, W1, b1, W2, b2, eps):
    BR = 512
    grid = (pl.cdiv(N, BR),)
    return pl.pallas_call(
        _tc_mlp_body,
        grid=grid,
        in_specs=[
            pl.BlockSpec((BR, D), lambda i: (i, 0)),
            pl.BlockSpec((2, BR, D), lambda i: (0, i, 0)),
            pl.BlockSpec((D, 2 * D), lambda i: (0, 0)),
            pl.BlockSpec((1, 2 * D), lambda i: (0, 0)),
            pl.BlockSpec((2 * D, D), lambda i: (0, 0)),
            pl.BlockSpec((1, D), lambda i: (0, 0)),
            pl.BlockSpec(memory_space=pltpu.SMEM),
        ],
        out_specs=pl.BlockSpec((BR, D), lambda i: (i, 0)),
        out_shape=jax.ShapeDtypeStruct((N, D), jnp.float32),
    )(h, partials, W1, b1.reshape(1, 2 * D), W2, b2.reshape(1, D), eps)


def kernel(h, edge_index, edge_attr, W1, b1, W2, b2, eps):
    ei1d = edge_index.reshape(2 * E)
    partials = _sc_aggregate(h, ei1d, edge_attr)
    return _tc_mlp(h, partials, W1, b1, W2, b2, eps)

# --- scband reference (transcript-rebuilt; emitter-appended) ---
"""Pipeline reference for scband-custom-ginlayer-55027120996496 (READ-ONLY COPY).

The authoritative reference and input builder live on the scoring server;
editing this copy changes nothing except your own understanding.
"""

import jax, jax.numpy as jnp
import numpy as np

N = 10000
E = 320000
D = 128


def setup_inputs(seed: int = 0) -> dict:
    key = jax.random.key(seed)
    ks = jax.random.split(key, 8)
    h = jax.random.normal(ks[0], (N, D), dtype=jnp.float32)
    edge_index = jax.random.randint(ks[1], (2, E), 0, N, dtype=jnp.int32)
    edge_attr = jax.random.normal(ks[2], (E, D), dtype=jnp.float32)
    # MLP params: Linear(D -> 2D), ReLU, Linear(2D -> D)
    W1 = jax.random.normal(ks[3], (D, 2 * D), dtype=jnp.float32) * (1.0 / np.sqrt(D))
    b1 = jnp.zeros((2 * D,), dtype=jnp.float32)
    W2 = jax.random.normal(ks[4], (2 * D, D), dtype=jnp.float32) * (1.0 / np.sqrt(2 * D))
    b2 = jnp.zeros((D,), dtype=jnp.float32)
    eps = jnp.zeros((1,), dtype=jnp.float32)
    return {"h": h, "edge_index": edge_index, "edge_attr": edge_attr,
            "W1": W1, "b1": b1, "W2": W2, "b2": b2, "eps": eps}


def reference(h, edge_index, edge_attr, W1, b1, W2, b2, eps):
    src = edge_index[0]
    dst = edge_index[1]
    # message: m = h[src] + edge_attr  (no edge encoder)
    m = jnp.take(h, src, axis=0) + edge_attr
    # reduce: sum over incoming messages per dst node
    aggr = jax.ops.segment_sum(m, dst, num_segments=h.shape[0])
    # GIN update: (1 + eps) * h + MLP(aggr)
    hid = jnp.maximum(aggr @ W1 + b1, 0.0)
    out = (1.0 + eps) * h + (hid @ W2 + b2)
    return out

if __name__ == "__main__":
    import jax
    _d = setup_inputs()
    print(jax.jit(kernel)(*tuple(_d.values())))

</pallas_src>

<mosaic_0001>
#map = affine_map<(d0, d1) -> (0, 0)>
#map1 = affine_map<(d0, d1) -> (0)>
#map2 = affine_map<(d0, d1) -> (0, 0, 0)>
module attributes {stable_mosaic.version = 14 : i64} {
  func.func @k(%arg0: i32, %arg1: i32, %arg2: memref<10000x128xf32, #tpu.memory_space<hbm>>, %arg3: memref<640000xi32, #tpu.memory_space<hbm>>, %arg4: memref<320000x128xf32, #tpu.memory_space<hbm>>, %arg5: memref<2x10112x128xf32, #tpu.memory_space<hbm>>, %arg6: memref<4x80xi32, #tpu.memory_space<vmem>>, %arg7: memref<4x80xi32, #tpu.memory_space<vmem>>, %arg8: memref<4x80x128xf32, #tpu.memory_space<vmem>>, %arg9: memref<10112x128xf32, #tpu.memory_space<vmem_shared>>, %arg10: memref<!tpu.dma_semaphore, #tpu.memory_space<semaphore_mem>>, %arg11: memref<!tpu.dma_semaphore, #tpu.memory_space<semaphore_mem>>, %arg12: memref<!tpu.dma_semaphore, #tpu.memory_space<semaphore_mem>>, %arg13: memref<!tpu.dma_semaphore, #tpu.memory_space<semaphore_mem>>) attributes {dimension_semantics = [#tpu.dimension_semantics<core_parallel>, #tpu.dimension_semantics<subcore_parallel>], iteration_bounds = array<i64: 2, 16>, scalar_prefetch = 0 : i64, scratch_operands = 8 : i64, tpu.core_type = #tpu.core_type<sc_vector_subcore>, window_params = [{transform_indices = #map}, {transform_indices = #map1}, {transform_indices = #map}, {transform_indices = #map2}]} {
    %mul3A = arith.constant 16 : i32
    %mul3A_0 = arith.muli %arg0, %mul3A : i32
    %add3A = arith.addi %mul3A_0, %arg1 : i32
    %scan3A = arith.constant 0 : i32
    %scan3A_1 = arith.constant 0 : i32
    %scan3A_2 = arith.constant 80 : i32
    %scan3A_3 = arith.addi %scan3A_1, %scan3A_2 : i32
    %scan3A_4 = arith.constant 1 : i32
    scf.for %scan3A_292 = %scan3A_1 to %scan3A_3 step %scan3A_4  : i32 {
      %broadcast_in_dim3A = arith.constant 0.000000e+00 : f32
      %broadcast_in_dim3A_293 = vector.broadcast %broadcast_in_dim3A : f32 to vector<16xf32>
      %swap3A = arith.constant 0 : i32
      %swap3A_294 = arith.index_cast %swap3A : i32 to index
      %swap3A_295 = arith.index_cast %scan3A_292 : i32 to index
      %swap3A_296 = arith.constant 0 : index
      %swap3A_297 = tpu.vector_load %arg8[%swap3A_294, %swap3A_295, %swap3A_296] {strides = array<i32>} : memref<4x80x128xf32, #tpu.memory_space<vmem>>, vector<1x1x16xf32>,
      %swap3A_298 = vector.shape_cast %swap3A_297 : vector<1x1x16xf32> to vector<16xf32>
      %swap3A_299 = vector.shape_cast %broadcast_in_dim3A_293 : vector<16xf32> to vector<1x1x16xf32>
      tpu.vector_store %arg8[%swap3A_294, %swap3A_295, %swap3A_296], %swap3A_299 {strides = array<i32>} : memref<4x80x128xf32, #tpu.memory_space<vmem>>, vector<1x1x16xf32>,
      %broadcast_in_dim3A_300 = arith.constant 0.000000e+00 : f32
      %broadcast_in_dim3A_301 = vector.broadcast %broadcast_in_dim3A_300 : f32 to vector<16xf32>
      %swap3A_302 = arith.constant 0 : i32
      %swap3A_303 = arith.index_cast %swap3A_302 : i32 to index
      %swap3A_304 = arith.index_cast %scan3A_292 : i32 to index
      %swap3A_305 = arith.constant 16 : index
      %swap3A_306 = tpu.vector_load %arg8[%swap3A_303, %swap3A_304, %swap3A_305] {strides = array<i32>} : memref<4x80x128xf32, #tpu.memory_space<vmem>>, vector<1x1x16xf32>,
      %swap3A_307 = vector.shape_cast %swap3A_306 : vector<1x1x16xf32> to vector<16xf32>
      %swap3A_308 = vector.shape_cast %broadcast_in_dim3A_301 : vector<16xf32> to vector<1x1x16xf32>
      tpu.vector_store %arg8[%swap3A_303, %swap3A_304, %swap3A_305], %swap3A_308 {strides = array<i32>} : memref<4x80x128xf32, #tpu.memory_space<vmem>>, vector<1x1x16xf32>,
      %broadcast_in_dim3A_309 = arith.constant 0.000000e+00 : f32
      %broadcast_in_dim3A_310 = vector.broadcast %broadcast_in_dim3A_309 : f32 to vector<16xf32>
      %swap3A_311 = arith.constant 0 : i32
      %swap3A_312 = arith.index_cast %swap3A_311 : i32 to index
      %swap3A_313 = arith.index_cast %scan3A_292 : i32 to index
      %swap3A_314 = arith.constant 32 : index
      %swap3A_315 = tpu.vector_load %arg8[%swap3A_312, %swap3A_313, %swap3A_314] {strides = array<i32>} : memref<4x80x128xf32, #tpu.memory_space<vmem>>, vector<1x1x16xf32>,
      %swap3A_316 = vector.shape_cast %swap3A_315 : vector<1x1x16xf32> to vector<16xf32>
      %swap3A_317 = vector.shape_cast %broadcast_in_dim3A_310 : vector<16xf32> to vector<1x1x16xf32>
      tpu.vector_store %arg8[%swap3A_312, %swap3A_313, %swap3A_314], %swap3A_317 {strides = array<i32>} : memref<4x80x128xf32, #tpu.memory_space<vmem>>, vector<1x1x16xf32>,
      %broadcast_in_dim3A_318 = arith.constant 0.000000e+00 : f32
      %broadcast_in_dim3A_319 = vector.broadcast %broadcast_in_dim3A_318 : f32 to vector<16xf32>
      %swap3A_320 = arith.constant 0 : i32
      %swap3A_321 = arith.index_cast %swap3A_320 : i32 to index
      %swap3A_322 = arith.index_cast %scan3A_292 : i32 to index
      %swap3A_323 = arith.constant 48 : index
      %swap3A_324 = tpu.vector_load %arg8[%swap3A_321, %swap3A_322, %swap3A_323] {strides = array<i32>} : memref<4x80x128xf32, #tpu.memory_space<vmem>>, vector<1x1x16xf32>,
      %swap3A_325 = vector.shape_cast %swap3A_324 : vector<1x1x16xf32> to vector<16xf32>
      %swap3A_326 = vector.shape_cast %broadcast_in_dim3A_319 : vector<16xf32> to vector<1x1x16xf32>
      tpu.vector_store %arg8[%swap3A_321, %swap3A_322, %swap3A_323], %swap3A_326 {strides = array<i32>} : memref<4x80x128xf32, #tpu.memory_space<vmem>>, vector<1x1x16xf32>,
      %broadcast_in_dim3A_327 = arith.constant 0.000000e+00 : f32
      %broadcast_in_dim3A_328 = vector.broadcast %broadcast_in_dim3A_327 : f32 to vector<16xf32>
      %swap3A_329 = arith.constant 0 : i32
      %swap3A_330 = arith.index_cast %swap3A_329 : i32 to index
      %swap3A_331 = arith.index_cast %scan3A_292 : i32 to index
      %swap3A_332 = arith.constant 64 : index
      %swap3A_333 = tpu.vector_load %arg8[%swap3A_330, %swap3A_331, %swap3A_332] {strides = array<i32>} : memref<4x80x128xf32, #tpu.memory_space<vmem>>, vector<1x1x16xf32>,
      %swap3A_334 = vector.shape_cast %swap3A_333 : vector<1x1x16xf32> to vector<16xf32>
      %swap3A_335 = vector.shape_cast %broadcast_in_dim3A_328 : vector<16xf32> to vector<1x1x16xf32>
      tpu.vector_store %arg8[%swap3A_330, %swap3A_331, %swap3A_332], %swap3A_335 {strides = array<i32>} : memref<4x80x128xf32, #tpu.memory_space<vmem>>, vector<1x1x16xf32>,
      %broadcast_in_dim3A_336 = arith.constant 0.000000e+00 : f32
      %broadcast_in_dim3A_337 = vector.broadcast %broadcast_in_dim3A_336 : f32 to vector<16xf32>
      %swap3A_338 = arith.constant 0 : i32
      %swap3A_339 = arith.index_cast %swap3A_338 : i32 to index
      %swap3A_340 = arith.index_cast %scan3A_292 : i32 to index
      %swap3A_341 = arith.constant 80 : index
      %swap3A_342 = tpu.vector_load %arg8[%swap3A_339, %swap3A_340, %swap3A_341] {strides = array<i32>} : memref<4x80x128xf32, #tpu.memory_space<vmem>>, vector<1x1x16xf32>,
      %swap3A_343 = vector.shape_cast %swap3A_342 : vector<1x1x16xf32> to vector<16xf32>
      %swap3A_344 = vector.shape_cast %broadcast_in_dim3A_337 : vector<16xf32> to vector<1x1x16xf32>
      tpu.vector_store %arg8[%swap3A_339, %swap3A_340, %swap3A_341], %swap3A_344 {strides = array<i32>} : memref<4x80x128xf32, #tpu.memory_space<vmem>>, vector<1x1x16xf32>,
      %broadcast_in_dim3A_345 = arith.constant 0.000000e+00 : f32
      %broadcast_in_dim3A_346 = vector.broadcast %broadcast_in_dim3A_345 : f32 to vector<16xf32>
      %swap3A_347 = arith.constant 0 : i32
      %swap3A_348 = arith.index_cast %swap3A_347 : i32 to index
      %swap3A_349 = arith.index_cast %scan3A_292 : i32 to index
      %swap3A_350 = arith.constant 96 : index
      %swap3A_351 = tpu.vector_load %arg8[%swap3A_348, %swap3A_349, %swap3A_350] {strides = array<i32>} : memref<4x80x128xf32, #tpu.memory_space<vmem>>, vector<1x1x16xf32>,
      %swap3A_352 = vector.shape_cast %swap3A_351 : vector<1x1x16xf32> to vector<16xf32>
      %swap3A_353 = vector.shape_cast %broadcast_in_dim3A_346 : vector<16xf32> to vector<1x1x16xf32>
      tpu.vector_store %arg8[%swap3A_348, %swap3A_349, %swap3A_350], %swap3A_353 {strides = array<i32>} : memref<4x80x128xf32, #tpu.memory_space<vmem>>, vector<1x1x16xf32>,
      %broadcast_in_dim3A_354 = arith.constant 0.000000e+00 : f32
      %broadcast_in_dim3A_355 = vector.broadcast %broadcast_in_dim3A_354 : f32 to vector<16xf32>
      %swap3A_356 = arith.constant 0 : i32
      %swap3A_357 = arith.index_cast %swap3A_356 : i32 to index
      %swap3A_358 = arith.index_cast %scan3A_292 : i32 to index
      %swap3A_359 = arith.constant 112 : index
      %swap3A_360 = tpu.vector_load %arg8[%swap3A_357, %swap3A_358, %swap3A_359] {strides = array<i32>} : memref<4x80x128xf32, #tpu.memory_space<vmem>>, vector<1x1x16xf32>,
      %swap3A_361 = vector.shape_cast %swap3A_360 : vector<1x1x16xf32> to vector<16xf32>
      %swap3A_362 = vector.shape_cast %broadcast_in_dim3A_355 : vector<16xf32> to vector<1x1x16xf32>
      tpu.vector_store %arg8[%swap3A_357, %swap3A_358, %swap3A_359], %swap3A_362 {strides = array<i32>} : memref<4x80x128xf32, #tpu.memory_space<vmem>>, vector<1x1x16xf32>,
    }
    %scan3A_5 = arith.constant 80 : i32
    %mul3A_6 = arith.constant 632 : i32
    %mul3A_7 = arith.muli %arg1, %mul3A_6 : i32
    %add3A_8 = arith.constant 0 : i32
    %add3A_9 = arith.addi %mul3A_7, %add3A_8 : i32
    %run_scoped3A = arith.constant 0 : i32
    "tpu.region"() ({
      %run_scoped3A_292 = tpu.sem_alloc : memref<!tpu.dma_semaphore, #tpu.memory_space<semaphore_mem>>
      %dma_start3A_293 = arith.constant 0 : i32
      %dma_start3A_294 = arith.constant 0 : i32
      %dma_start3A_295 = tpu.memref_slice %arg8[%run_scoped3A, %dma_start3A_293, %dma_start3A_294] : memref<4x80x128xf32, #tpu.memory_space<vmem>> -> memref<1x80x128xf32, #tpu.memory_space<vmem>>
      %dma_start3A_296 = tpu.memref_squeeze %dma_start3A_295 : memref<1x80x128xf32, #tpu.memory_space<vmem>> -> memref<80x128xf32, #tpu.memory_space<vmem>>
      %dma_start3A_297 = arith.constant 0 : i32
      %dma_start3A_298 = tpu.memref_slice %arg9[%add3A_9, %dma_start3A_297] : memref<10112x128xf32, #tpu.memory_space<vmem_shared>> -> memref<80x128xf32, #tpu.memory_space<vmem_shared>>
      %dma_start3A_299 = arith.constant 0 : i32
      %dma_start3A_300 = tpu.memref_slice %arg9[%add3A_9, %dma_start3A_299] : memref<10112x128xf32, #tpu.memory_space<vmem_shared>> -> memref<80x128xf32, #tpu.memory_space<vmem_shared>>
      %dma_start3A_301 = arith.constant 0 : i32
      %dma_start3A_302 = arith.constant 0 : i32
      %dma_start3A_303 = tpu.memref_slice %arg8[%run_scoped3A, %dma_start3A_301, %dma_start3A_302] : memref<4x80x128xf32, #tpu.memory_space<vmem>> -> memref<1x80x128xf32, #tpu.memory_space<vmem>>
      %dma_start3A_304 = tpu.memref_squeeze %dma_start3A_303 : memref<1x80x128xf32, #tpu.memory_space<vmem>> -> memref<80x128xf32, #tpu.memory_space<vmem>>
      tpu.enqueue_dma source(%dma_start3A_304 : memref<80x128xf32, #tpu.memory_space<vmem>>) target(%dma_start3A_300 : memref<80x128xf32, #tpu.memory_space<vmem_shared>>) target_semaphore(%run_scoped3A_292 : memref<!tpu.dma_semaphore, #tpu.memory_space<semaphore_mem>>)
      %dma_wait3A_305 = arith.constant 0 : i32
      %dma_wait3A_306 = arith.constant 0 : i32
      %dma_wait3A_307 = tpu.memref_slice %arg8[%run_scoped3A, %dma_wait3A_305, %dma_wait3A_306] : memref<4x80x128xf32, #tpu.memory_space<vmem>> -> memref<1x80x128xf32, #tpu.memory_space<vmem>>
      %dma_wait3A_308 = tpu.memref_squeeze %dma_wait3A_307 : memref<1x80x128xf32, #tpu.memory_space<vmem>> -> memref<80x128xf32, #tpu.memory_space<vmem>>
      %dma_wait3A_309 = arith.constant 0 : i32
      %dma_wait3A_310 = tpu.memref_slice %arg9[%add3A_9, %dma_wait3A_309] : memref<10112x128xf32, #tpu.memory_space<vmem_shared>> -> memref<80x128xf32, #tpu.memory_space<vmem_shared>>
      %dma_wait3A_311 = arith.constant 0 : i32
      %dma_wait3A_312 = tpu.memref_slice %arg9[%add3A_9, %dma_wait3A_311] : memref<10112x128xf32, #tpu.memory_space<vmem_shared>> -> memref<80x128xf32, #tpu.memory_space<vmem_shared>>
      %dma_wait3A_313 = arith.constant 0 : i32
      %dma_wait3A_314 = arith.constant 0 : i32
      %dma_wait3A_315 = tpu.memref_slice %arg8[%run_scoped3A, %dma_wait3A_313, %dma_wait3A_314] : memref<4x80x128xf32, #tpu.memory_space<vmem>> -> memref<1x80x128xf32, #tpu.memory_space<vmem>>
      %dma_wait3A_316 = tpu.memref_squeeze %dma_wait3A_315 : memref<1x80x128xf32, #tpu.memory_space<vmem>> -> memref<80x128xf32, #tpu.memory_space<vmem>>
      tpu.wait_dma2 semaphore(%run_scoped3A_292 : memref<!tpu.dma_semaphore, #tpu.memory_space<semaphore_mem>>) src(%dma_wait3A_316 : memref<80x128xf32, #tpu.memory_space<vmem>>) dst(%dma_wait3A_312 : memref<80x128xf32, #tpu.memory_space<vmem_shared>>)
      tpu.yield
    }) : () -> ()
    %add3A_10 = arith.constant 80 : i32
    %add3A_11 = arith.addi %mul3A_7, %add3A_10 : i32
    %run_scoped3A_12 = arith.constant 0 : i32
    "tpu.region"() ({
      %run_scoped3A_292 = tpu.sem_alloc : memref<!tpu.dma_semaphore, #tpu.memory_space<semaphore_mem>>
      %dma_start3A_293 = arith.constant 0 : i32
      %dma_start3A_294 = arith.constant 0 : i32
      %dma_start3A_295 = tpu.memref_slice %arg8[%run_scoped3A_12, %dma_start3A_293, %dma_start3A_294] : memref<4x80x128xf32, #tpu.memory_space<vmem>> -> memref<1x80x128xf32, #tpu.memory_space<vmem>>
      %dma_start3A_296 = tpu.memref_squeeze %dma_start3A_295 : memref<1x80x128xf32, #tpu.memory_space<vmem>> -> memref<80x128xf32, #tpu.memory_space<vmem>>
      %dma_start3A_297 = arith.constant 0 : i32
      %dma_start3A_298 = tpu.memref_slice %arg9[%add3A_11, %dma_start3A_297] : memref<10112x128xf32, #tpu.memory_space<vmem_shared>> -> memref<80x128xf32, #tpu.memory_space<vmem_shared>>
      %dma_start3A_299 = arith.constant 0 : i32
      %dma_start3A_300 = tpu.memref_slice %arg9[%add3A_11, %dma_start3A_299] : memref<10112x128xf32, #tpu.memory_space<vmem_shared>> -> memref<80x128xf32, #tpu.memory_space<vmem_shared>>
      %dma_start3A_301 = arith.constant 0 : i32
      %dma_start3A_302 = arith.constant 0 : i32
      %dma_start3A_303 = tpu.memref_slice %arg8[%run_scoped3A_12, %dma_start3A_301, %dma_start3A_302] : memref<4x80x128xf32, #tpu.memory_space<vmem>> -> memref<1x80x128xf32, #tpu.memory_space<vmem>>
      %dma_start3A_304 = tpu.memref_squeeze %dma_start3A_303 : memref<1x80x128xf32, #tpu.memory_space<vmem>> -> memref<80x128xf32, #tpu.memory_space<vmem>>
      tpu.enqueue_dma source(%dma_start3A_304 : memref<80x128xf32, #tpu.memory_space<vmem>>) target(%dma_start3A_300 : memref<80x128xf32, #tpu.memory_space<vmem_shared>>) target_semaphore(%run_scoped3A_292 : memref<!tpu.dma_semaphore, #tpu.memory_space<semaphore_mem>>)
      %dma_wait3A_305 = arith.constant 0 : i32
      %dma_wait3A_306 = arith.constant 0 : i32
      %dma_wait3A_307 = tpu.memref_slice %arg8[%run_scoped3A_12, %dma_wait3A_305, %dma_wait3A_306] : memref<4x80x128xf32, #tpu.memory_space<vmem>> -> memref<1x80x128xf32, #tpu.memory_space<vmem>>
      %dma_wait3A_308 = tpu.memref_squeeze %dma_wait3A_307 : memref<1x80x128xf32, #tpu.memory_space<vmem>> -> memref<80x128xf32, #tpu.memory_space<vmem>>
      %dma_wait3A_309 = arith.constant 0 : i32
      %dma_wait3A_310 = tpu.memref_slice %arg9[%add3A_11, %dma_wait3A_309] : memref<10112x128xf32, #tpu.memory_space<vmem_shared>> -> memref<80x128xf32, #tpu.memory_space<vmem_shared>>
      %dma_wait3A_311 = arith.constant 0 : i32
      %dma_wait3A_312 = tpu.memref_slice %arg9[%add3A_11, %dma_wait3A_311] : memref<10112x128xf32, #tpu.memory_space<vmem_shared>> -> memref<80x128xf32, #tpu.memory_space<vmem_shared>>
      %dma_wait3A_313 = arith.constant 0 : i32
      %dma_wait3A_314 = arith.constant 0 : i32
      %dma_wait3A_315 = tpu.memref_slice %arg8[%run_scoped3A_12, %dma_wait3A_313, %dma_wait3A_314] : memref<4x80x128xf32, #tpu.memory_space<vmem>> -> memref<1x80x128xf32, #tpu.memory_space<vmem>>
      %dma_wait3A_316 = tpu.memref_squeeze %dma_wait3A_315 : memref<1x80x128xf32, #tpu.memory_space<vmem>> -> memref<80x128xf32, #tpu.memory_space<vmem>>
      tpu.wait_dma2 semaphore(%run_scoped3A_292 : memref<!tpu.dma_semaphore, #tpu.memory_space<semaphore_mem>>) src(%dma_wait3A_316 : memref<80x128xf32, #tpu.memory_space<vmem>>) dst(%dma_wait3A_312 : memref<80x128xf32, #tpu.memory_space<vmem_shared>>)
      tpu.yield
    }) : () -> ()
    %add3A_13 = arith.constant 160 : i32
    %add3A_14 = arith.addi %mul3A_7, %add3A_13 : i32
    %run_scoped3A_15 = arith.constant 0 : i32
    "tpu.region"() ({
      %run_scoped3A_292 = tpu.sem_alloc : memref<!tpu.dma_semaphore, #tpu.memory_space<semaphore_mem>>
      %dma_start3A_293 = arith.constant 0 : i32
      %dma_start3A_294 = arith.constant 0 : i32
      %dma_start3A_295 = tpu.memref_slice %arg8[%run_scoped3A_15, %dma_start3A_293, %dma_start3A_294] : memref<4x80x128xf32, #tpu.memory_space<vmem>> -> memref<1x80x128xf32, #tpu.memory_space<vmem>>
      %dma_start3A_296 = tpu.memref_squeeze %dma_start3A_295 : memref<1x80x128xf32, #tpu.memory_space<vmem>> -> memref<80x128xf32, #tpu.memory_space<vmem>>
      %dma_start3A_297 = arith.constant 0 : i32
      %dma_start3A_298 = tpu.memref_slice %arg9[%add3A_14, %dma_start3A_297] : memref<10112x128xf32, #tpu.memory_space<vmem_shared>> -> memref<80x128xf32, #tpu.memory_space<vmem_shared>>
      %dma_start3A_299 = arith.constant 0 : i32
      %dma_start3A_300 = tpu.memref_slice %arg9[%add3A_14, %dma_start3A_299] : memref<10112x128xf32, #tpu.memory_space<vmem_shared>> -> memref<80x128xf32, #tpu.memory_space<vmem_shared>>
      %dma_start3A_301 = arith.constant 0 : i32
      %dma_start3A_302 = arith.constant 0 : i32
      %dma_start3A_303 = tpu.memref_slice %arg8[%run_scoped3A_15, %dma_start3A_301, %dma_start3A_302] : memref<4x80x128xf32, #tpu.memory_space<vmem>> -> memref<1x80x128xf32, #tpu.memory_space<vmem>>
      %dma_start3A_304 = tpu.memref_squeeze %dma_start3A_303 : memref<1x80x128xf32, #tpu.memory_space<vmem>> -> memref<80x128xf32, #tpu.memory_space<vmem>>
      tpu.enqueue_dma source(%dma_start3A_304 : memref<80x128xf32, #tpu.memory_space<vmem>>) target(%dma_start3A_300 : memref<80x128xf32, #tpu.memory_space<vmem_shared>>) target_semaphore(%run_scoped3A_292 : memref<!tpu.dma_semaphore, #tpu.memory_space<semaphore_mem>>)
      %dma_wait3A_305 = arith.constant 0 : i32
      %dma_wait3A_306 = arith.constant 0 : i32
      %dma_wait3A_307 = tpu.memref_slice %arg8[%run_scoped3A_15, %dma_wait3A_305, %dma_wait3A_306] : memref<4x80x128xf32, #tpu.memory_space<vmem>> -> memref<1x80x128xf32, #tpu.memory_space<vmem>>
      %dma_wait3A_308 = tpu.memref_squeeze %dma_wait3A_307 : memref<1x80x128xf32, #tpu.memory_space<vmem>> -> memref<80x128xf32, #tpu.memory_space<vmem>>
      %dma_wait3A_309 = arith.constant 0 : i32
      %dma_wait3A_310 = tpu.memref_slice %arg9[%add3A_14, %dma_wait3A_309] : memref<10112x128xf32, #tpu.memory_space<vmem_shared>> -> memref<80x128xf32, #tpu.memory_space<vmem_shared>>
      %dma_wait3A_311 = arith.constant 0 : i32
      %dma_wait3A_312 = tpu.memref_slice %arg9[%add3A_14, %dma_wait3A_311] : memref<10112x128xf32, #tpu.memory_space<vmem_shared>> -> memref<80x128xf32, #tpu.memory_space<vmem_shared>>
      %dma_wait3A_313 = arith.constant 0 : i32
      %dma_wait3A_314 = arith.constant 0 : i32
      %dma_wait3A_315 = tpu.memref_slice %arg8[%run_scoped3A_15, %dma_wait3A_313, %dma_wait3A_314] : memref<4x80x128xf32, #tpu.memory_space<vmem>> -> memref<1x80x128xf32, #tpu.memory_space<vmem>>
      %dma_wait3A_316 = tpu.memref_squeeze %dma_wait3A_315 : memref<1x80x128xf32, #tpu.memory_space<vmem>> -> memref<80x128xf32, #tpu.memory_space<vmem>>
      tpu.wait_dma2 semaphore(%run_scoped3A_292 : memref<!tpu.dma_semaphore, #tpu.memory_space<semaphore_mem>>) src(%dma_wait3A_316 : memref<80x128xf32, #tpu.memory_space<vmem>>) dst(%dma_wait3A_312 : memref<80x128xf32, #tpu.memory_space<vmem_shared>>)
      tpu.yield
    }) : () -> ()
    %add3A_16 = arith.constant 240 : i32
    %add3A_17 = arith.addi %mul3A_7, %add3A_16 : i32
    %run_scoped3A_18 = arith.constant 0 : i32
    "tpu.region"() ({
      %run_scoped3A_292 = tpu.sem_alloc : memref<!tpu.dma_semaphore, #tpu.memory_space<semaphore_mem>>
      %dma_start3A_293 = arith.constant 0 : i32
      %dma_start3A_294 = arith.constant 0 : i32
      %dma_start3A_295 = tpu.memref_slice %arg8[%run_scoped3A_18, %dma_start3A_293, %dma_start3A_294] : memref<4x80x128xf32, #tpu.memory_space<vmem>> -> memref<1x80x128xf32, #tpu.memory_space<vmem>>
      %dma_start3A_296 = tpu.memref_squeeze %dma_start3A_295 : memref<1x80x128xf32, #tpu.memory_space<vmem>> -> memref<80x128xf32, #tpu.memory_space<vmem>>
      %dma_start3A_297 = arith.constant 0 : i32
      %dma_start3A_298 = tpu.memref_slice %arg9[%add3A_17, %dma_start3A_297] : memref<10112x128xf32, #tpu.memory_space<vmem_shared>> -> memref<80x128xf32, #tpu.memory_space<vmem_shared>>
      %dma_start3A_299 = arith.constant 0 : i32
      %dma_start3A_300 = tpu.memref_slice %arg9[%add3A_17, %dma_start3A_299] : memref<10112x128xf32, #tpu.memory_space<vmem_shared>> -> memref<80x128xf32, #tpu.memory_space<vmem_shared>>
      %dma_start3A_301 = arith.constant 0 : i32
      %dma_start3A_302 = arith.constant 0 : i32
      %dma_start3A_303 = tpu.memref_slice %arg8[%run_scoped3A_18, %dma_start3A_301, %dma_start3A_302] : memref<4x80x128xf32, #tpu.memory_space<vmem>> -> memref<1x80x128xf32, #tpu.memory_space<vmem>>
      %dma_start3A_304 = tpu.memref_squeeze %dma_start3A_303 : memref<1x80x128xf32, #tpu.memory_space<vmem>> -> memref<80x128xf32, #tpu.memory_space<vmem>>
      tpu.enqueue_dma source(%dma_start3A_304 : memref<80x128xf32, #tpu.memory_space<vmem>>) target(%dma_start3A_300 : memref<80x128xf32, #tpu.memory_space<vmem_shared>>) target_semaphore(%run_scoped3A_292 : memref<!tpu.dma_semaphore, #tpu.memory_space<semaphore_mem>>)
      %dma_wait3A_305 = arith.constant 0 : i32
      %dma_wait3A_306 = arith.constant 0 : i32
      %dma_wait3A_307 = tpu.memref_slice %arg8[%run_scoped3A_18, %dma_wait3A_305, %dma_wait3A_306] : memref<4x80x128xf32, #tpu.memory_space<vmem>> -> memref<1x80x128xf32, #tpu.memory_space<vmem>>
      %dma_wait3A_308 = tpu.memref_squeeze %dma_wait3A_307 : memref<1x80x128xf32, #tpu.memory_space<vmem>> -> memref<80x128xf32, #tpu.memory_space<vmem>>
      %dma_wait3A_309 = arith.constant 0 : i32
      %dma_wait3A_310 = tpu.memref_slice %arg9[%add3A_17, %dma_wait3A_309] : memref<10112x128xf32, #tpu.memory_space<vmem_shared>> -> memref<80x128xf32, #tpu.memory_space<vmem_shared>>
      %dma_wait3A_311 = arith.constant 0 : i32
      %dma_wait3A_312 = tpu.memref_slice %arg9[%add3A_17, %dma_wait3A_311] : memref<10112x128xf32, #tpu.memory_space<vmem_shared>> -> memref<80x128xf32, #tpu.memory_space<vmem_shared>>
      %dma_wait3A_313 = arith.constant 0 : i32
      %dma_wait3A_314 = arith.constant 0 : i32
      %dma_wait3A_315 = tpu.memref_slice %arg8[%run_scoped3A_18, %dma_wait3A_313, %dma_wait3A_314] : memref<4x80x128xf32, #tpu.memory_space<vmem>> -> memref<1x80x128xf32, #tpu.memory_space<vmem>>
      %dma_wait3A_316 = tpu.memref_squeeze %dma_wait3A_315 : memref<1x80x128xf32, #tpu.memory_space<vmem>> -> memref<80x128xf32, #tpu.memory_space<vmem>>
      tpu.wait_dma2 semaphore(%run_scoped3A_292 : memref<!tpu.dma_semaphore, #tpu.memory_space<semaphore_mem>>) src(%dma_wait3A_316 : memref<80x128xf32, #tpu.memory_space<vmem>>) dst(%dma_wait3A_312 : memref<80x128xf32, #tpu.memory_space<vmem_shared>>)
      tpu.yield
    }) : () -> ()
    %add3A_19 = arith.constant 320 : i32
    %add3A_20 = arith.addi %mul3A_7, %add3A_19 : i32
    %run_scoped3A_21 = arith.constant 0 : i32
    "tpu.region"() ({
      %run_scoped3A_292 = tpu.sem_alloc : memref<!tpu.dma_semaphore, #tpu.memory_space<semaphore_mem>>
      %dma_start3A_293 = arith.constant 0 : i32
      %dma_start3A_294 = arith.constant 0 : i32
      %dma_start3A_295 = tpu.memref_slice %arg8[%run_scoped3A_21, %dma_start3A_293, %dma_start3A_294] : memref<4x80x128xf32, #tpu.memory_space<vmem>> -> memref<1x80x128xf32, #tpu.memory_space<vmem>>
      %dma_start3A_296 = tpu.memref_squeeze %dma_start3A_295 : memref<1x80x128xf32, #tpu.memory_space<vmem>> -> memref<80x128xf32, #tpu.memory_space<vmem>>
      %dma_start3A_297 = arith.constant 0 : i32
      %dma_start3A_298 = tpu.memref_slice %arg9[%add3A_20, %dma_start3A_297] : memref<10112x128xf32, #tpu.memory_space<vmem_shared>> -> memref<80x128xf32, #tpu.memory_space<vmem_shared>>
      %dma_start3A_299 = arith.constant 0 : i32
      %dma_start3A_300 = tpu.memref_slice %arg9[%add3A_20, %dma_start3A_299] : memref<10112x128xf32, #tpu.memory_space<vmem_shared>> -> memref<80x128xf32, #tpu.memory_space<vmem_shared>>
      %dma_start3A_301 = arith.constant 0 : i32
      %dma_start3A_302 = arith.constant 0 : i32
      %dma_start3A_303 = tpu.memref_slice %arg8[%run_scoped3A_21, %dma_start3A_301, %dma_start3A_302] : memref<4x80x128xf32, #tpu.memory_space<vmem>> -> memref<1x80x128xf32, #tpu.memory_space<vmem>>
      %dma_start3A_304 = tpu.memref_squeeze %dma_start3A_303 : memref<1x80x128xf32, #tpu.memory_space<vmem>> -> memref<80x128xf32, #tpu.memory_space<vmem>>
      tpu.enqueue_dma source(%dma_start3A_304 : memref<80x128xf32, #tpu.memory_space<vmem>>) target(%dma_start3A_300 : memref<80x128xf32, #tpu.memory_space<vmem_shared>>) target_semaphore(%run_scoped3A_292 : memref<!tpu.dma_semaphore, #tpu.memory_space<semaphore_mem>>)
      %dma_wait3A_305 = arith.constant 0 : i32
      %dma_wait3A_306 = arith.constant 0 : i32
      %dma_wait3A_307 = tpu.memref_slice %arg8[%run_scoped3A_21, %dma_wait3A_305, %dma_wait3A_306] : memref<4x80x128xf32, #tpu.memory_space<vmem>> -> memref<1x80x128xf32, #tpu.memory_space<vmem>>
      %dma_wait3A_308 = tpu.memref_squeeze %dma_wait3A_307 : memref<1x80x128xf32, #tpu.memory_space<vmem>> -> memref<80x128xf32, #tpu.memory_space<vmem>>
      %dma_wait3A_309 = arith.constant 0 : i32
      %dma_wait3A_310 = tpu.memref_slice %arg9[%add3A_20, %dma_wait3A_309] : memref<10112x128xf32, #tpu.memory_space<vmem_shared>> -> memref<80x128xf32, #tpu.memory_space<vmem_shared>>
      %dma_wait3A_311 = arith.constant 0 : i32
      %dma_wait3A_312 = tpu.memref_slice %arg9[%add3A_20, %dma_wait3A_311] : memref<10112x128xf32, #tpu.memory_space<vmem_shared>> -> memref<80x128xf32, #tpu.memory_space<vmem_shared>>
      %dma_wait3A_313 = arith.constant 0 : i32
      %dma_wait3A_314 = arith.constant 0 : i32
      %dma_wait3A_315 = tpu.memref_slice %arg8[%run_scoped3A_21, %dma_wait3A_313, %dma_wait3A_314] : memref<4x80x128xf32, #tpu.memory_space<vmem>> -> memref<1x80x128xf32, #tpu.memory_space<vmem>>
      %dma_wait3A_316 = tpu.memref_squeeze %dma_wait3A_315 : memref<1x80x128xf32, #tpu.memory_space<vmem>> -> memref<80x128xf32, #tpu.memory_space<vmem>>
      tpu.wait_dma2 semaphore(%run_scoped3A_292 : memref<!tpu.dma_semaphore, #tpu.memory_space<semaphore_mem>>) src(%dma_wait3A_316 : memref<80x128xf32, #tpu.memory_space<vmem>>) dst(%dma_wait3A_312 : memref<80x128xf32, #tpu.memory_space<vmem_shared>>)
      tpu.yield
    }) : () -> ()
    %add3A_22 = arith.constant 400 : i32
    %add3A_23 = arith.addi %mul3A_7, %add3A_22 : i32
    %run_scoped3A_24 = arith.constant 0 : i32
    "tpu.region"() ({
      %run_scoped3A_292 = tpu.sem_alloc : memref<!tpu.dma_semaphore, #tpu.memory_space<semaphore_mem>>
      %dma_start3A_293 = arith.constant 0 : i32
      %dma_start3A_294 = arith.constant 0 : i32
      %dma_start3A_295 = tpu.memref_slice %arg8[%run_scoped3A_24, %dma_start3A_293, %dma_start3A_294] : memref<4x80x128xf32, #tpu.memory_space<vmem>> -> memref<1x80x128xf32, #tpu.memory_space<vmem>>
      %dma_start3A_296 = tpu.memref_squeeze %dma_start3A_295 : memref<1x80x128xf32, #tpu.memory_space<vmem>> -> memref<80x128xf32, #tpu.memory_space<vmem>>
      %dma_start3A_297 = arith.constant 0 : i32
      %dma_start3A_298 = tpu.memref_slice %arg9[%add3A_23, %dma_start3A_297] : memref<10112x128xf32, #tpu.memory_space<vmem_shared>> -> memref<80x128xf32, #tpu.memory_space<vmem_shared>>
      %dma_start3A_299 = arith.constant 0 : i32
      %dma_start3A_300 = tpu.memref_slice %arg9[%add3A_23, %dma_start3A_299] : memref<10112x128xf32, #tpu.memory_space<vmem_shared>> -> memref<80x128xf32, #tpu.memory_space<vmem_shared>>
      %dma_start3A_301 = arith.constant 0 : i32
      %dma_start3A_302 = arith.constant 0 : i32
      %dma_start3A_303 = tpu.memref_slice %arg8[%run_scoped3A_24, %dma_start3A_301, %dma_start3A_302] : memref<4x80x128xf32, #tpu.memory_space<vmem>> -> memref<1x80x128xf32, #tpu.memory_space<vmem>>
      %dma_start3A_304 = tpu.memref_squeeze %dma_start3A_303 : memref<1x80x128xf32, #tpu.memory_space<vmem>> -> memref<80x128xf32, #tpu.memory_space<vmem>>
      tpu.enqueue_dma source(%dma_start3A_304 : memref<80x128xf32, #tpu.memory_space<vmem>>) target(%dma_start3A_300 : memref<80x128xf32, #tpu.memory_space<vmem_shared>>) target_semaphore(%run_scoped3A_292 : memref<!tpu.dma_semaphore, #tpu.memory_space<semaphore_mem>>)
      %dma_wait3A_305 = arith.constant 0 : i32
      %dma_wait3A_306 = arith.constant 0 : i32
      %dma_wait3A_307 = tpu.memref_slice %arg8[%run_scoped3A_24, %dma_wait3A_305, %dma_wait3A_306] : memref<4x80x128xf32, #tpu.memory_space<vmem>> -> memref<1x80x128xf32, #tpu.memory_space<vmem>>
      %dma_wait3A_308 = tpu.memref_squeeze %dma_wait3A_307 : memref<1x80x128xf32, #tpu.memory_space<vmem>> -> memref<80x128xf32, #tpu.memory_space<vmem>>
      %dma_wait3A_309 = arith.constant 0 : i32
      %dma_wait3A_310 = tpu.memref_slice %arg9[%add3A_23, %dma_wait3A_309] : memref<10112x128xf32, #tpu.memory_space<vmem_shared>> -> memref<80x128xf32, #tpu.memory_space<vmem_shared>>
      %dma_wait3A_311 = arith.constant 0 : i32
      %dma_wait3A_312 = tpu.memref_slice %arg9[%add3A_23, %dma_wait3A_311] : memref<10112x128xf32, #tpu.memory_space<vmem_shared>> -> memref<80x128xf32, #tpu.memory_space<vmem_shared>>
      %dma_wait3A_313 = arith.constant 0 : i32
      %dma_wait3A_314 = arith.constant 0 : i32
      %dma_wait3A_315 = tpu.memref_slice %arg8[%run_scoped3A_24, %dma_wait3A_313, %dma_wait3A_314] : memref<4x80x128xf32, #tpu.memory_space<vmem>> -> memref<1x80x128xf32, #tpu.memory_space<vmem>>
      %dma_wait3A_316 = tpu.memref_squeeze %dma_wait3A_315 : memref<1x80x128xf32, #tpu.memory_space<vmem>> -> memref<80x128xf32, #tpu.memory_space<vmem>>
      tpu.wait_dma2 semaphore(%run_scoped3A_292 : memref<!tpu.dma_semaphore, #tpu.memory_space<semaphore_mem>>) src(%dma_wait3A_316 : memref<80x128xf32, #tpu.memory_space<vmem>>) dst(%dma_wait3A_312 : memref<80x128xf32, #tpu.memory_space<vmem_shared>>)
      tpu.yield
    }) : () -> ()
    %add3A_25 = arith.constant 480 : i32
    %add3A_26 = arith.addi %mul3A_7, %add3A_25 : i32
    %run_scoped3A_27 = arith.constant 0 : i32
    "tpu.region"() ({
      %run_scoped3A_292 = tpu.sem_alloc : memref<!tpu.dma_semaphore, #tpu.memory_space<semaphore_mem>>
      %dma_start3A_293 = arith.constant 0 : i32
      %dma_start3A_294 = arith.constant 0 : i32
      %dma_start3A_295 = tpu.memref_slice %arg8[%run_scoped3A_27, %dma_start3A_293, %dma_start3A_294] : memref<4x80x128xf32, #tpu.memory_space<vmem>> -> memref<1x80x128xf32, #tpu.memory_space<vmem>>
      %dma_start3A_296 = tpu.memref_squeeze %dma_start3A_295 : memref<1x80x128xf32, #tpu.memory_space<vmem>> -> memref<80x128xf32, #tpu.memory_space<vmem>>
      %dma_start3A_297 = arith.constant 0 : i32
      %dma_start3A_298 = tpu.memref_slice %arg9[%add3A_26, %dma_start3A_297] : memref<10112x128xf32, #tpu.memory_space<vmem_shared>> -> memref<80x128xf32, #tpu.memory_space<vmem_shared>>
      %dma_start3A_299 = arith.constant 0 : i32
      %dma_start3A_300 = tpu.memref_slice %arg9[%add3A_26, %dma_start3A_299] : memref<10112x128xf32, #tpu.memory_space<vmem_shared>> -> memref<80x128xf32, #tpu.memory_space<vmem_shared>>
      %dma_start3A_301 = arith.constant 0 : i32
      %dma_start3A_302 = arith.constant 0 : i32
      %dma_start3A_303 = tpu.memref_slice %arg8[%run_scoped3A_27, %dma_start3A_301, %dma_start3A_302] : memref<4x80x128xf32, #tpu.memory_space<vmem>> -> memref<1x80x128xf32, #tpu.memory_space<vmem>>
      %dma_start3A_304 = tpu.memref_squeeze %dma_start3A_303 : memref<1x80x128xf32, #tpu.memory_space<vmem>> -> memref<80x128xf32, #tpu.memory_space<vmem>>
      tpu.enqueue_dma source(%dma_start3A_304 : memref<80x128xf32, #tpu.memory_space<vmem>>) target(%dma_start3A_300 : memref<80x128xf32, #tpu.memory_space<vmem_shared>>) target_semaphore(%run_scoped3A_292 : memref<!tpu.dma_semaphore, #tpu.memory_space<semaphore_mem>>)
      %dma_wait3A_305 = arith.constant 0 : i32
      %dma_wait3A_306 = arith.constant 0 : i32
      %dma_wait3A_307 = tpu.memref_slice %arg8[%run_scoped3A_27, %dma_wait3A_305, %dma_wait3A_306] : memref<4x80x128xf32, #tpu.memory_space<vmem>> -> memref<1x80x128xf32, #tpu.memory_space<vmem>>
      %dma_wait3A_308 = tpu.memref_squeeze %dma_wait3A_307 : memref<1x80x128xf32, #tpu.memory_space<vmem>> -> memref<80x128xf32, #tpu.memory_space<vmem>>
      %dma_wait3A_309 = arith.constant 0 : i32
      %dma_wait3A_310 = tpu.memref_slice %arg9[%add3A_26, %dma_wait3A_309] : memref<10112x128xf32, #tpu.memory_space<vmem_shared>> -> memref<80x128xf32, #tpu.memory_space<vmem_shared>>
      %dma_wait3A_311 = arith.constant 0 : i32
      %dma_wait3A_312 = tpu.memref_slice %arg9[%add3A_26, %dma_wait3A_311] : memref<10112x128xf32, #tpu.memory_space<vmem_shared>> -> memref<80x128xf32, #tpu.memory_space<vmem_shared>>
      %dma_wait3A_313 = arith.constant 0 : i32
      %dma_wait3A_314 = arith.constant 0 : i32
      %dma_wait3A_315 = tpu.memref_slice %arg8[%run_scoped3A_27, %dma_wait3A_313, %dma_wait3A_314] : memref<4x80x128xf32, #tpu.memory_space<vmem>> -> memref<1x80x128xf32, #tpu.memory_space<vmem>>
      %dma_wait3A_316 = tpu.memref_squeeze %dma_wait3A_315 : memref<1x80x128xf32, #tpu.memory_space<vmem>> -> memref<80x128xf32, #tpu.memory_space<vmem>>
      tpu.wait_dma2 semaphore(%run_scoped3A_292 : memref<!tpu.dma_semaphore, #tpu.memory_space<semaphore_mem>>) src(%dma_wait3A_316 : memref<80x128xf32, #tpu.memory_space<vmem>>) dst(%dma_wait3A_312 : memref<80x128xf32, #tpu.memory_space<vmem_shared>>)
      tpu.yield
    }) : () -> ()
    %add3A_28 = arith.constant 632 : i32
    %add3A_29 = arith.addi %mul3A_7, %add3A_28 : i32
    %sub3A = arith.constant 72 : i32
    %sub3A_30 = arith.subi %add3A_29, %sub3A : i32
    %run_scoped3A_31 = arith.constant 0 : i32
    "tpu.region"() ({
      %run_scoped3A_292 = tpu.sem_alloc : memref<!tpu.dma_semaphore, #tpu.memory_space<semaphore_mem>>
      %dma_start3A_293 = arith.constant 0 : i32
      %dma_start3A_294 = arith.constant 0 : i32
      %dma_start3A_295 = tpu.memref_slice %arg8[%run_scoped3A_31, %dma_start3A_293, %dma_start3A_294] : memref<4x80x128xf32, #tpu.memory_space<vmem>> -> memref<1x80x128xf32, #tpu.memory_space<vmem>>
      %dma_start3A_296 = tpu.memref_squeeze %dma_start3A_295 : memref<1x80x128xf32, #tpu.memory_space<vmem>> -> memref<80x128xf32, #tpu.memory_space<vmem>>
      %dma_start3A_297 = arith.constant 0 : i32
      %dma_start3A_298 = arith.constant 0 : i32
      %dma_start3A_299 = tpu.memref_slice %dma_start3A_296[%dma_start3A_297, %dma_start3A_298] : memref<80x128xf32, #tpu.memory_space<vmem>> -> memref<72x128xf32, #tpu.memory_space<vmem>>
      %dma_start3A_300 = arith.constant 0 : i32
      %dma_start3A_301 = tpu.memref_slice %arg9[%sub3A_30, %dma_start3A_300] : memref<10112x128xf32, #tpu.memory_space<vmem_shared>> -> memref<72x128xf32, #tpu.memory_space<vmem_shared>>
      %dma_start3A_302 = arith.constant 0 : i32
      %dma_start3A_303 = tpu.memref_slice %arg9[%sub3A_30, %dma_start3A_302] : memref<10112x128xf32, #tpu.memory_space<vmem_shared>> -> memref<72x128xf32, #tpu.memory_space<vmem_shared>>
      %dma_start3A_304 = arith.constant 0 : i32
      %dma_start3A_305 = arith.constant 0 : i32
      %dma_start3A_306 = tpu.memref_slice %arg8[%run_scoped3A_31, %dma_start3A_304, %dma_start3A_305] : memref<4x80x128xf32, #tpu.memory_space<vmem>> -> memref<1x80x128xf32, #tpu.memory_space<vmem>>
      %dma_start3A_307 = tpu.memref_squeeze %dma_start3A_306 : memref<1x80x128xf32, #tpu.memory_space<vmem>> -> memref<80x128xf32, #tpu.memory_space<vmem>>
      %dma_start3A_308 = arith.constant 0 : i32
      %dma_start3A_309 = arith.constant 0 : i32
      %dma_start3A_310 = tpu.memref_slice %dma_start3A_307[%dma_start3A_308, %dma_start3A_309] : memref<80x128xf32, #tpu.memory_space<vmem>> -> memref<72x128xf32, #tpu.memory_space<vmem>>
      tpu.enqueue_dma source(%dma_start3A_310 : memref<72x128xf32, #tpu.memory_space<vmem>>) target(%dma_start3A_303 : memref<72x128xf32, #tpu.memory_space<vmem_shared>>) target_semaphore(%run_scoped3A_292 : memref<!tpu.dma_semaphore, #tpu.memory_space<semaphore_mem>>)
      %dma_wait3A_311 = arith.constant 0 : i32
      %dma_wait3A_312 = arith.constant 0 : i32
      %dma_wait3A_313 = tpu.memref_slice %arg8[%run_scoped3A_31, %dma_wait3A_311, %dma_wait3A_312] : memref<4x80x128xf32, #tpu.memory_space<vmem>> -> memref<1x80x128xf32, #tpu.memory_space<vmem>>
      %dma_wait3A_314 = tpu.memref_squeeze %dma_wait3A_313 : memref<1x80x128xf32, #tpu.memory_space<vmem>> -> memref<80x128xf32, #tpu.memory_space<vmem>>
      %dma_wait3A_315 = arith.constant 0 : i32
      %dma_wait3A_316 = arith.constant 0 : i32
      %dma_wait3A_317 = tpu.memref_slice %dma_wait3A_314[%dma_wait3A_315, %dma_wait3A_316] : memref<80x128xf32, #tpu.memory_space<vmem>> -> memref<72x128xf32, #tpu.memory_space<vmem>>
      %dma_wait3A_318 = arith.constant 0 : i32
      %dma_wait3A_319 = tpu.memref_slice %arg9[%sub3A_30, %dma_wait3A_318] : memref<10112x128xf32, #tpu.memory_space<vmem_shared>> -> memref<72x128xf32, #tpu.memory_space<vmem_shared>>
      %dma_wait3A_320 = arith.constant 0 : i32
      %dma_wait3A_321 = tpu.memref_slice %arg9[%sub3A_30, %dma_wait3A_320] : memref<10112x128xf32, #tpu.memory_space<vmem_shared>> -> memref<72x128xf32, #tpu.memory_space<vmem_shared>>
      %dma_wait3A_322 = arith.constant 0 : i32
      %dma_wait3A_323 = arith.constant 0 : i32
      %dma_wait3A_324 = tpu.memref_slice %arg8[%run_scoped3A_31, %dma_wait3A_322, %dma_wait3A_323] : memref<4x80x128xf32, #tpu.memory_space<vmem>> -> memref<1x80x128xf32, #tpu.memory_space<vmem>>
      %dma_wait3A_325 = tpu.memref_squeeze %dma_wait3A_324 : memref<1x80x128xf32, #tpu.memory_space<vmem>> -> memref<80x128xf32, #tpu.memory_space<vmem>>
      %dma_wait3A_326 = arith.constant 0 : i32
      %dma_wait3A_327 = arith.constant 0 : i32
      %dma_wait3A_328 = tpu.memref_slice %dma_wait3A_325[%dma_wait3A_326, %dma_wait3A_327] : memref<80x128xf32, #tpu.memory_space<vmem>> -> memref<72x128xf32, #tpu.memory_space<vmem>>
      tpu.wait_dma2 semaphore(%run_scoped3A_292 : memref<!tpu.dma_semaphore, #tpu.memory_space<semaphore_mem>>) src(%dma_wait3A_328 : memref<72x128xf32, #tpu.memory_space<vmem>>) dst(%dma_wait3A_321 : memref<72x128xf32, #tpu.memory_space<vmem_shared>>)
      tpu.yield
    }) : () -> ()
    %barrier3A = arith.constant 0 : index
    tpu.barrier barrier_id(%barrier3A)
    %mul3A_32 = arith.constant 125 : i32
    %mul3A_33 = arith.muli %add3A, %mul3A_32 : i32
    %add3A_34 = arith.constant 125 : i32
    %add3A_35 = arith.addi %mul3A_33, %add3A_34 : i32
    %jit3A = arith.constant 4 : i32
    %eq3A = arith.constant 0 : i32
    %eq3A_36 = arith.cmpi eq, %jit3A, %eq3A : i32
    %jit3A_37 = arith.constant 1 : i32
    %select_n3A = arith.select %eq3A_36, %jit3A_37, %jit3A : i32
    %rem3A = arith.remsi %mul3A_33, %select_n3A : i32
    %ne3A = arith.constant 0 : i32
    %ne3A_38 = arith.cmpi ne, %rem3A, %ne3A : i32
    %lt3A = arith.constant 0 : i32
    %lt3A_39 = arith.cmpi slt, %rem3A, %lt3A : i32
    %lt3A_40 = arith.constant 0 : i32
    %lt3A_41 = arith.cmpi slt, %select_n3A, %lt3A_40 : i32
    %ne3A_42 = arith.xori %lt3A_39, %lt3A_41 : i1
    %and3A = arith.andi %ne3A_42, %ne3A_38 : i1
    %add3A_43 = arith.addi %rem3A, %select_n3A : i32
    %select_n3A_44 = arith.select %and3A, %add3A_43, %rem3A : i32
    %mul3A_45 = arith.constant 80 : i32
    %mul3A_46 = arith.muli %mul3A_33, %mul3A_45 : i32
    %dma_start3A = arith.constant 0 : i32
    %dma_start3A_47 = tpu.memref_slice %arg6[%select_n3A_44, %dma_start3A] : memref<4x80xi32, #tpu.memory_space<vmem>> -> memref<1x80xi32, #tpu.memory_space<vmem>>
    %dma_start3A_48 = tpu.memref_squeeze %dma_start3A_47 : memref<1x80xi32, #tpu.memory_space<vmem>> -> memref<80xi32, #tpu.memory_space<vmem>>
    %dma_start3A_49 = tpu.memref_slice %arg3[%mul3A_46] : memref<640000xi32, #tpu.memory_space<hbm>> -> memref<80xi32, #tpu.memory_space<hbm>>
    %dma_start3A_50 = arith.constant 0 : i32
    %dma_start3A_51 = tpu.memref_slice %arg6[%select_n3A_44, %dma_start3A_50] : memref<4x80xi32, #tpu.memory_space<vmem>> -> memref<1x80xi32, #tpu.memory_space<vmem>>
    %dma_start3A_52 = tpu.memref_squeeze %dma_start3A_51 : memref<1x80xi32, #tpu.memory_space<vmem>> -> memref<80xi32, #tpu.memory_space<vmem>>
    %dma_start3A_53 = tpu.memref_slice %arg3[%mul3A_46] : memref<640000xi32, #tpu.memory_space<hbm>> -> memref<80xi32, #tpu.memory_space<hbm>>
    tpu.enqueue_dma source(%dma_start3A_53 : memref<80xi32, #tpu.memory_space<hbm>>) target(%dma_start3A_52 : memref<80xi32, #tpu.memory_space<vmem>>) target_semaphore(%arg12 : memref<!tpu.dma_semaphore, #tpu.memory_space<semaphore_mem>>)
    %mul3A_54 = arith.constant 80 : i32
    %mul3A_55 = arith.muli %mul3A_33, %mul3A_54 : i32
    %add3A_56 = arith.constant 320000 : i32
    %add3A_57 = arith.addi %add3A_56, %mul3A_55 : i32
    %dma_start3A_58 = arith.constant 0 : i32
    %dma_start3A_59 = tpu.memref_slice %arg7[%select_n3A_44, %dma_start3A_58] : memref<4x80xi32, #tpu.memory_space<vmem>> -> memref<1x80xi32, #tpu.memory_space<vmem>>
    %dma_start3A_60 = tpu.memref_squeeze %dma_start3A_59 : memref<1x80xi32, #tpu.memory_space<vmem>> -> memref<80xi32, #tpu.memory_space<vmem>>
    %dma_start3A_61 = tpu.memref_slice %arg3[%add3A_57] : memref<640000xi32, #tpu.memory_space<hbm>> -> memref<80xi32, #tpu.memory_space<hbm>>
    %dma_start3A_62 = arith.constant 0 : i32
    %dma_start3A_63 = tpu.memref_slice %arg7[%select_n3A_44, %dma_start3A_62] : memref<4x80xi32, #tpu.memory_space<vmem>> -> memref<1x80xi32, #tpu.memory_space<vmem>>
    %dma_start3A_64 = tpu.memref_squeeze %dma_start3A_63 : memref<1x80xi32, #tpu.memory_space<vmem>> -> memref<80xi32, #tpu.memory_space<vmem>>
    %dma_start3A_65 = tpu.memref_slice %arg3[%add3A_57] : memref<640000xi32, #tpu.memory_space<hbm>> -> memref<80xi32, #tpu.memory_space<hbm>>
    tpu.enqueue_dma source(%dma_start3A_65 : memref<80xi32, #tpu.memory_space<hbm>>) target(%dma_start3A_64 : memref<80xi32, #tpu.memory_space<vmem>>) target_semaphore(%arg12 : memref<!tpu.dma_semaphore, #tpu.memory_space<semaphore_mem>>)
    %jit3A_66 = arith.constant 4 : i32
    %eq3A_67 = arith.constant 0 : i32
    %eq3A_68 = arith.cmpi eq, %jit3A_66, %eq3A_67 : i32
    %jit3A_69 = arith.constant 1 : i32
    %select_n3A_70 = arith.select %eq3A_68, %jit3A_69, %jit3A_66 : i32
    %rem3A_71 = arith.remsi %mul3A_33, %select_n3A_70 : i32
    %ne3A_72 = arith.constant 0 : i32
    %ne3A_73 = arith.cmpi ne, %rem3A_71, %ne3A_72 : i32
    %lt3A_74 = arith.constant 0 : i32
    %lt3A_75 = arith.cmpi slt, %rem3A_71, %lt3A_74 : i32
    %lt3A_76 = arith.constant 0 : i32
    %lt3A_77 = arith.cmpi slt, %select_n3A_70, %lt3A_76 : i32
    %ne3A_78 = arith.xori %lt3A_75, %lt3A_77 : i1
    %and3A_79 = arith.andi %ne3A_78, %ne3A_73 : i1
    %add3A_80 = arith.addi %rem3A_71, %select_n3A_70 : i32
    %select_n3A_81 = arith.select %and3A_79, %add3A_80, %rem3A_71 : i32
    %mul3A_82 = arith.constant 80 : i32
    %mul3A_83 = arith.muli %mul3A_33, %mul3A_82 : i32
    %dma_start3A_84 = arith.constant 0 : i32
    %dma_start3A_85 = arith.constant 0 : i32
    %dma_start3A_86 = tpu.memref_slice %arg8[%select_n3A_81, %dma_start3A_84, %dma_start3A_85] : memref<4x80x128xf32, #tpu.memory_space<vmem>> -> memref<1x80x128xf32, #tpu.memory_space<vmem>>
    %dma_start3A_87 = tpu.memref_squeeze %dma_start3A_86 : memref<1x80x128xf32, #tpu.memory_space<vmem>> -> memref<80x128xf32, #tpu.memory_space<vmem>>
    %dma_start3A_88 = arith.constant 0 : i32
    %dma_start3A_89 = tpu.memref_slice %arg4[%mul3A_83, %dma_start3A_88] : memref<320000x128xf32, #tpu.memory_space<hbm>> -> memref<80x128xf32, #tpu.memory_space<hbm>>
    %dma_start3A_90 = arith.constant 0 : i32
    %dma_start3A_91 = arith.constant 0 : i32
    %dma_start3A_92 = tpu.memref_slice %arg8[%select_n3A_81, %dma_start3A_90, %dma_start3A_91] : memref<4x80x128xf32, #tpu.memory_space<vmem>> -> memref<1x80x128xf32, #tpu.memory_space<vmem>>
    %dma_start3A_93 = tpu.memref_squeeze %dma_start3A_92 : memref<1x80x128xf32, #tpu.memory_space<vmem>> -> memref<80x128xf32, #tpu.memory_space<vmem>>
    %dma_start3A_94 = arith.constant 0 : i32
    %dma_start3A_95 = tpu.memref_slice %arg4[%mul3A_83, %dma_start3A_94] : memref<320000x128xf32, #tpu.memory_space<hbm>> -> memref<80x128xf32, #tpu.memory_space<hbm>>
    tpu.enqueue_dma source(%dma_start3A_95 : memref<80x128xf32, #tpu.memory_space<hbm>>) target(%dma_start3A_93 : memref<80x128xf32, #tpu.memory_space<vmem>>) target_semaphore(%arg11 : memref<!tpu.dma_semaphore, #tpu.memory_space<semaphore_mem>>)
    %add3A_96 = arith.constant 1 : i32
    %add3A_97 = arith.addi %mul3A_33, %add3A_96 : i32
    %jit3A_98 = arith.constant 4 : i32
    %eq3A_99 = arith.constant 0 : i32
    %eq3A_100 = arith.cmpi eq, %jit3A_98, %eq3A_99 : i32
    %jit3A_101 = arith.constant 1 : i32
    %select_n3A_102 = arith.select %eq3A_100, %jit3A_101, %jit3A_98 : i32
    %rem3A_103 = arith.remsi %add3A_97, %select_n3A_102 : i32
    %ne3A_104 = arith.constant 0 : i32
    %ne3A_105 = arith.cmpi ne, %rem3A_103, %ne3A_104 : i32
    %lt3A_106 = arith.constant 0 : i32
    %lt3A_107 = arith.cmpi slt, %rem3A_103, %lt3A_106 : i32
    %lt3A_108 = arith.constant 0 : i32
    %lt3A_109 = arith.cmpi slt, %select_n3A_102, %lt3A_108 : i32
    %ne3A_110 = arith.xori %lt3A_107, %lt3A_109 : i1
    %and3A_111 = arith.andi %ne3A_110, %ne3A_105 : i1
    %add3A_112 = arith.addi %rem3A_103, %select_n3A_102 : i32
    %select_n3A_113 = arith.select %and3A_111, %add3A_112, %rem3A_103 : i32
    %mul3A_114 = arith.constant 80 : i32
    %mul3A_115 = arith.muli %add3A_97, %mul3A_114 : i32
    %dma_start3A_116 = arith.constant 0 : i32
    %dma_start3A_117 = tpu.memref_slice %arg6[%select_n3A_113, %dma_start3A_116] : memref<4x80xi32, #tpu.memory_space<vmem>> -> memref<1x80xi32, #tpu.memory_space<vmem>>
    %dma_start3A_118 = tpu.memref_squeeze %dma_start3A_117 : memref<1x80xi32, #tpu.memory_space<vmem>> -> memref<80xi32, #tpu.memory_space<vmem>>
    %dma_start3A_119 = tpu.memref_slice %arg3[%mul3A_115] : memref<640000xi32, #tpu.memory_space<hbm>> -> memref<80xi32, #tpu.memory_space<hbm>>
    %dma_start3A_120 = arith.constant 0 : i32
    %dma_start3A_121 = tpu.memref_slice %arg6[%select_n3A_113, %dma_start3A_120] : memref<4x80xi32, #tpu.memory_space<vmem>> -> memref<1x80xi32, #tpu.memory_space<vmem>>
    %dma_start3A_122 = tpu.memref_squeeze %dma_start3A_121 : memref<1x80xi32, #tpu.memory_space<vmem>> -> memref<80xi32, #tpu.memory_space<vmem>>
    %dma_start3A_123 = tpu.memref_slice %arg3[%mul3A_115] : memref<640000xi32, #tpu.memory_space<hbm>> -> memref<80xi32, #tpu.memory_space<hbm>>
    tpu.enqueue_dma source(%dma_start3A_123 : memref<80xi32, #tpu.memory_space<hbm>>) target(%dma_start3A_122 : memref<80xi32, #tpu.memory_space<vmem>>) target_semaphore(%arg12 : memref<!tpu.dma_semaphore, #tpu.memory_space<semaphore_mem>>)
    %mul3A_124 = arith.constant 80 : i32
    %mul3A_125 = arith.muli %add3A_97, %mul3A_124 : i32
    %add3A_126 = arith.constant 320000 : i32
    %add3A_127 = arith.addi %add3A_126, %mul3A_125 : i32
    %dma_start3A_128 = arith.constant 0 : i32
    %dma_start3A_129 = tpu.memref_slice %arg7[%select_n3A_113, %dma_start3A_128] : memref<4x80xi32, #tpu.memory_space<vmem>> -> memref<1x80xi32, #tpu.memory_space<vmem>>
    %dma_start3A_130 = tpu.memref_squeeze %dma_start3A_129 : memref<1x80xi32, #tpu.memory_space<vmem>> -> memref<80xi32, #tpu.memory_space<vmem>>
    %dma_start3A_131 = tpu.memref_slice %arg3[%add3A_127] : memref<640000xi32, #tpu.memory_space<hbm>> -> memref<80xi32, #tpu.memory_space<hbm>>
    %dma_start3A_132 = arith.constant 0 : i32
    %dma_start3A_133 = tpu.memref_slice %arg7[%select_n3A_113, %dma_start3A_132] : memref<4x80xi32, #tpu.memory_space<vmem>> -> memref<1x80xi32, #tpu.memory_space<vmem>>
    %dma_start3A_134 = tpu.memref_squeeze %dma_start3A_133 : memref<1x80xi32, #tpu.memory_space<vmem>> -> memref<80xi32, #tpu.memory_space<vmem>>
    %dma_start3A_135 = tpu.memref_slice %arg3[%add3A_127] : memref<640000xi32, #tpu.memory_space<hbm>> -> memref<80xi32, #tpu.memory_space<hbm>>
    tpu.enqueue_dma source(%dma_start3A_135 : memref<80xi32, #tpu.memory_space<hbm>>) target(%dma_start3A_134 : memref<80xi32, #tpu.memory_space<vmem>>) target_semaphore(%arg12 : memref<!tpu.dma_semaphore, #tpu.memory_space<semaphore_mem>>)
    %add3A_136 = arith.constant 1 : i32
    %add3A_137 = arith.addi %mul3A_33, %add3A_136 : i32
    %jit3A_138 = arith.constant 4 : i32
    %eq3A_139 = arith.constant 0 : i32
    %eq3A_140 = arith.cmpi eq, %jit3A_138, %eq3A_139 : i32
    %jit3A_141 = arith.constant 1 : i32
    %select_n3A_142 = arith.select %eq3A_140, %jit3A_141, %jit3A_138 : i32
    %rem3A_143 = arith.remsi %add3A_137, %select_n3A_142 : i32
    %ne3A_144 = arith.constant 0 : i32
    %ne3A_145 = arith.cmpi ne, %rem3A_143, %ne3A_144 : i32
    %lt3A_146 = arith.constant 0 : i32
    %lt3A_147 = arith.cmpi slt, %rem3A_143, %lt3A_146 : i32
    %lt3A_148 = arith.constant 0 : i32
    %lt3A_149 = arith.cmpi slt, %select_n3A_142, %lt3A_148 : i32
    %ne3A_150 = arith.xori %lt3A_147, %lt3A_149 : i1
    %and3A_151 = arith.andi %ne3A_150, %ne3A_145 : i1
    %add3A_152 = arith.addi %rem3A_143, %select_n3A_142 : i32
    %select_n3A_153 = arith.select %and3A_151, %add3A_152, %rem3A_143 : i32
    %mul3A_154 = arith.constant 80 : i32
    %mul3A_155 = arith.muli %add3A_137, %mul3A_154 : i32
    %dma_start3A_156 = arith.constant 0 : i32
    %dma_start3A_157 = arith.constant 0 : i32
    %dma_start3A_158 = tpu.memref_slice %arg8[%select_n3A_153, %dma_start3A_156, %dma_start3A_157] : memref<4x80x128xf32, #tpu.memory_space<vmem>> -> memref<1x80x128xf32, #tpu.memory_space<vmem>>
    %dma_start3A_159 = tpu.memref_squeeze %dma_start3A_158 : memref<1x80x128xf32, #tpu.memory_space<vmem>> -> memref<80x128xf32, #tpu.memory_space<vmem>>
    %dma_start3A_160 = arith.constant 0 : i32
    %dma_start3A_161 = tpu.memref_slice %arg4[%mul3A_155, %dma_start3A_160] : memref<320000x128xf32, #tpu.memory_space<hbm>> -> memref<80x128xf32, #tpu.memory_space<hbm>>
    %dma_start3A_162 = arith.constant 0 : i32
    %dma_start3A_163 = arith.constant 0 : i32
    %dma_start3A_164 = tpu.memref_slice %arg8[%select_n3A_153, %dma_start3A_162, %dma_start3A_163] : memref<4x80x128xf32, #tpu.memory_space<vmem>> -> memref<1x80x128xf32, #tpu.memory_space<vmem>>
    %dma_start3A_165 = tpu.memref_squeeze %dma_start3A_164 : memref<1x80x128xf32, #tpu.memory_space<vmem>> -> memref<80x128xf32, #tpu.memory_space<vmem>>
    %dma_start3A_166 = arith.constant 0 : i32
    %dma_start3A_167 = tpu.memref_slice %arg4[%mul3A_155, %dma_start3A_166] : memref<320000x128xf32, #tpu.memory_space<hbm>> -> memref<80x128xf32, #tpu.memory_space<hbm>>
    tpu.enqueue_dma source(%dma_start3A_167 : memref<80x128xf32, #tpu.memory_space<hbm>>) target(%dma_start3A_165 : memref<80x128xf32, #tpu.memory_space<vmem>>) target_semaphore(%arg11 : memref<!tpu.dma_semaphore, #tpu.memory_space<semaphore_mem>>)
    %while3A = arith.constant 0 : i32
    %while3A_168 = arith.subi %add3A_35, %mul3A_33 : i32
    %while3A_169 = arith.addi %mul3A_33, %while3A_168 : i32
    %while3A_170 = arith.constant 1 : i32
    %while3A_171 = arith.divsi %while3A_168, %while3A_170 : i32
    %while3A_172 = arith.muli %while3A_171, %while3A_170 : i32
    %while3A_173 = arith.addi %mul3A_33, %while3A_172 : i32
    %while3A_174 = arith.constant 1 : i32
    scf.for %while3A_292 = %mul3A_33 to %while3A_173 step %while3A_174  : i32 {
      %sub3A_293 = arith.constant 2 : i32
      %sub3A_294 = arith.subi %while3A_292, %sub3A_293 : i32
      %ge3A = arith.cmpi sge, %sub3A_294, %mul3A_33 : i32
      %convert_element_type3A = arith.extui %ge3A : i1 to i32
      %cond3A = arith.constant 0 : i32
      %cond3A_295 = arith.cmpi ne, %convert_element_type3A, %cond3A : i32
      scf.if %cond3A_295 {
        %sub3A_402 = arith.constant 2 : i32
        %sub3A_403 = arith.subi %while3A_292, %sub3A_402 : i32
        %jit3A_404 = arith.constant 4 : i32
        %eq3A_405 = arith.constant 0 : i32
        %eq3A_406 = arith.cmpi eq, %jit3A_404, %eq3A_405 : i32
        %jit3A_407 = arith.constant 1 : i32
        %select_n3A_408 = arith.select %eq3A_406, %jit3A_407, %jit3A_404 : i32
        %rem3A_409 = arith.remsi %sub3A_403, %select_n3A_408 : i32
        %ne3A_410 = arith.constant 0 : i32
        %ne3A_411 = arith.cmpi ne, %rem3A_409, %ne3A_410 : i32
        %lt3A_412 = arith.constant 0 : i32
        %lt3A_413 = arith.cmpi slt, %rem3A_409, %lt3A_412 : i32
        %lt3A_414 = arith.constant 0 : i32
        %lt3A_415 = arith.cmpi slt, %select_n3A_408, %lt3A_414 : i32
        %ne3A_416 = arith.xori %lt3A_413, %lt3A_415 : i1
        %and3A_417 = arith.andi %ne3A_416, %ne3A_411 : i1
        %add3A_418 = arith.addi %rem3A_409, %select_n3A_408 : i32
        %select_n3A_419 = arith.select %and3A_417, %add3A_418, %rem3A_409 : i32
        %dma_wait3A_420 = arith.constant 0 : i32
        %dma_wait3A_421 = arith.constant 0 : i32
        %dma_wait3A_422 = tpu.memref_slice %arg8[%select_n3A_419, %dma_wait3A_420, %dma_wait3A_421] : memref<4x80x128xf32, #tpu.memory_space<vmem>> -> memref<1x80x128xf32, #tpu.memory_space<vmem>>
        %dma_wait3A_423 = tpu.memref_squeeze %dma_wait3A_422 : memref<1x80x128xf32, #tpu.memory_space<vmem>> -> memref<80x128xf32, #tpu.memory_space<vmem>>
        %dma_wait3A_424 = arith.constant 0 : i32
        %dma_wait3A_425 = tpu.memref_slice %arg7[%select_n3A_419, %dma_wait3A_424] : memref<4x80xi32, #tpu.memory_space<vmem>> -> memref<1x80xi32, #tpu.memory_space<vmem>>
        %dma_wait3A_426 = tpu.memref_squeeze %dma_wait3A_425 : memref<1x80xi32, #tpu.memory_space<vmem>> -> memref<80xi32, #tpu.memory_space<vmem>>
        %dma_wait3A_427 = arith.constant 0 : i32
        %dma_wait3A_428 = arith.constant 0 : i32
        %dma_wait3A_429 = tpu.memref_slice %arg9[%dma_wait3A_427, %dma_wait3A_428] : memref<10112x128xf32, #tpu.memory_space<vmem_shared>> -> memref<10112x128xf32, #tpu.memory_space<vmem_shared>>
        tpu.wait_indirect_dma semaphore(%arg13 : memref<!tpu.dma_semaphore, #tpu.memory_space<semaphore_mem>>) src(%dma_wait3A_423 : memref<80x128xf32, #tpu.memory_space<vmem>>) dst(%dma_wait3A_429 : memref<10112x128xf32, #tpu.memory_space<vmem_shared>>)
      } else {
      }
      %add3A_296 = arith.constant 2 : i32
      %add3A_297 = arith.addi %while3A_292, %add3A_296 : i32
      %lt3A_298 = arith.cmpi slt, %add3A_297, %add3A_35 : i32
      %convert_element_type3A_299 = arith.extui %lt3A_298 : i1 to i32
      %cond3A_300 = arith.constant 0 : i32
      %cond3A_301 = arith.cmpi ne, %convert_element_type3A_299, %cond3A_300 : i32
      scf.if %cond3A_301 {
        %add3A_402 = arith.constant 2 : i32
        %add3A_403 = arith.addi %while3A_292, %add3A_402 : i32
        %jit3A_404 = arith.constant 4 : i32
        %eq3A_405 = arith.constant 0 : i32
        %eq3A_406 = arith.cmpi eq, %jit3A_404, %eq3A_405 : i32
        %jit3A_407 = arith.constant 1 : i32
        %select_n3A_408 = arith.select %eq3A_406, %jit3A_407, %jit3A_404 : i32
        %rem3A_409 = arith.remsi %add3A_403, %select_n3A_408 : i32
        %ne3A_410 = arith.constant 0 : i32
        %ne3A_411 = arith.cmpi ne, %rem3A_409, %ne3A_410 : i32
        %lt3A_412 = arith.constant 0 : i32
        %lt3A_413 = arith.cmpi slt, %rem3A_409, %lt3A_412 : i32
        %lt3A_414 = arith.constant 0 : i32
        %lt3A_415 = arith.cmpi slt, %select_n3A_408, %lt3A_414 : i32
        %ne3A_416 = arith.xori %lt3A_413, %lt3A_415 : i1
        %and3A_417 = arith.andi %ne3A_416, %ne3A_411 : i1
        %add3A_418 = arith.addi %rem3A_409, %select_n3A_408 : i32
        %select_n3A_419 = arith.select %and3A_417, %add3A_418, %rem3A_409 : i32
        %mul3A_420 = arith.constant 80 : i32
        %mul3A_421 = arith.muli %add3A_403, %mul3A_420 : i32
        %dma_start3A_422 = arith.constant 0 : i32
        %dma_start3A_423 = tpu.memref_slice %arg6[%select_n3A_419, %dma_start3A_422] : memref<4x80xi32, #tpu.memory_space<vmem>> -> memref<1x80xi32, #tpu.memory_space<vmem>>
        %dma_start3A_424 = tpu.memref_squeeze %dma_start3A_423 : memref<1x80xi32, #tpu.memory_space<vmem>> -> memref<80xi32, #tpu.memory_space<vmem>>
        %dma_start3A_425 = tpu.memref_slice %arg3[%mul3A_421] : memref<640000xi32, #tpu.memory_space<hbm>> -> memref<80xi32, #tpu.memory_space<hbm>>
        %dma_start3A_426 = arith.constant 0 : i32
        %dma_start3A_427 = tpu.memref_slice %arg6[%select_n3A_419, %dma_start3A_426] : memref<4x80xi32, #tpu.memory_space<vmem>> -> memref<1x80xi32, #tpu.memory_space<vmem>>
        %dma_start3A_428 = tpu.memref_squeeze %dma_start3A_427 : memref<1x80xi32, #tpu.memory_space<vmem>> -> memref<80xi32, #tpu.memory_space<vmem>>
        %dma_start3A_429 = tpu.memref_slice %arg3[%mul3A_421] : memref<640000xi32, #tpu.memory_space<hbm>> -> memref<80xi32, #tpu.memory_space<hbm>>
        tpu.enqueue_dma source(%dma_start3A_429 : memref<80xi32, #tpu.memory_space<hbm>>) target(%dma_start3A_428 : memref<80xi32, #tpu.memory_space<vmem>>) target_semaphore(%arg12 : memref<!tpu.dma_semaphore, #tpu.memory_space<semaphore_mem>>)
        %mul3A_430 = arith.constant 80 : i32
        %mul3A_431 = arith.muli %add3A_403, %mul3A_430 : i32
        %add3A_432 = arith.constant 320000 : i32
        %add3A_433 = arith.addi %add3A_432, %mul3A_431 : i32
        %dma_start3A_434 = arith.constant 0 : i32
        %dma_start3A_435 = tpu.memref_slice %arg7[%select_n3A_419, %dma_start3A_434] : memref<4x80xi32, #tpu.memory_space<vmem>> -> memref<1x80xi32, #tpu.memory_space<vmem>>
        %dma_start3A_436 = tpu.memref_squeeze %dma_start3A_435 : memref<1x80xi32, #tpu.memory_space<vmem>> -> memref<80xi32, #tpu.memory_space<vmem>>
        %dma_start3A_437 = tpu.memref_slice %arg3[%add3A_433] : memref<640000xi32, #tpu.memory_space<hbm>> -> memref<80xi32, #tpu.memory_space<hbm>>
        %dma_start3A_438 = arith.constant 0 : i32
        %dma_start3A_439 = tpu.memref_slice %arg7[%select_n3A_419, %dma_start3A_438] : memref<4x80xi32, #tpu.memory_space<vmem>> -> memref<1x80xi32, #tpu.memory_space<vmem>>
        %dma_start3A_440 = tpu.memref_squeeze %dma_start3A_439 : memref<1x80xi32, #tpu.memory_space<vmem>> -> memref<80xi32, #tpu.memory_space<vmem>>
        %dma_start3A_441 = tpu.memref_slice %arg3[%add3A_433] : memref<640000xi32, #tpu.memory_space<hbm>> -> memref<80xi32, #tpu.memory_space<hbm>>
        tpu.enqueue_dma source(%dma_start3A_441 : memref<80xi32, #tpu.memory_space<hbm>>) target(%dma_start3A_440 : memref<80xi32, #tpu.memory_space<vmem>>) target_semaphore(%arg12 : memref<!tpu.dma_semaphore, #tpu.memory_space<semaphore_mem>>)
        %add3A_442 = arith.constant 2 : i32
        %add3A_443 = arith.addi %while3A_292, %add3A_442 : i32
        %jit3A_444 = arith.constant 4 : i32
        %eq3A_445 = arith.constant 0 : i32
        %eq3A_446 = arith.cmpi eq, %jit3A_444, %eq3A_445 : i32
        %jit3A_447 = arith.constant 1 : i32
        %select_n3A_448 = arith.select %eq3A_446, %jit3A_447, %jit3A_444 : i32
        %rem3A_449 = arith.remsi %add3A_443, %select_n3A_448 : i32
        %ne3A_450 = arith.constant 0 : i32
        %ne3A_451 = arith.cmpi ne, %rem3A_449, %ne3A_450 : i32
        %lt3A_452 = arith.constant 0 : i32
        %lt3A_453 = arith.cmpi slt, %rem3A_449, %lt3A_452 : i32
        %lt3A_454 = arith.constant 0 : i32
        %lt3A_455 = arith.cmpi slt, %select_n3A_448, %lt3A_454 : i32
        %ne3A_456 = arith.xori %lt3A_453, %lt3A_455 : i1
        %and3A_457 = arith.andi %ne3A_456, %ne3A_451 : i1
        %add3A_458 = arith.addi %rem3A_449, %select_n3A_448 : i32
        %select_n3A_459 = arith.select %and3A_457, %add3A_458, %rem3A_449 : i32
        %mul3A_460 = arith.constant 80 : i32
        %mul3A_461 = arith.muli %add3A_443, %mul3A_460 : i32
        %dma_start3A_462 = arith.constant 0 : i32
        %dma_start3A_463 = arith.constant 0 : i32
        %dma_start3A_464 = tpu.memref_slice %arg8[%select_n3A_459, %dma_start3A_462, %dma_start3A_463] : memref<4x80x128xf32, #tpu.memory_space<vmem>> -> memref<1x80x128xf32, #tpu.memory_space<vmem>>
        %dma_start3A_465 = tpu.memref_squeeze %dma_start3A_464 : memref<1x80x128xf32, #tpu.memory_space<vmem>> -> memref<80x128xf32, #tpu.memory_space<vmem>>
        %dma_start3A_466 = arith.constant 0 : i32
        %dma_start3A_467 = tpu.memref_slice %arg4[%mul3A_461, %dma_start3A_466] : memref<320000x128xf32, #tpu.memory_space<hbm>> -> memref<80x128xf32, #tpu.memory_space<hbm>>
        %dma_start3A_468 = arith.constant 0 : i32
        %dma_start3A_469 = arith.constant 0 : i32
        %dma_start3A_470 = tpu.memref_slice %arg8[%select_n3A_459, %dma_start3A_468, %dma_start3A_469] : memref<4x80x128xf32, #tpu.memory_space<vmem>> -> memref<1x80x128xf32, #tpu.memory_space<vmem>>
        %dma_start3A_471 = tpu.memref_squeeze %dma_start3A_470 : memref<1x80x128xf32, #tpu.memory_space<vmem>> -> memref<80x128xf32, #tpu.memory_space<vmem>>
        %dma_start3A_472 = arith.constant 0 : i32
        %dma_start3A_473 = tpu.memref_slice %arg4[%mul3A_461, %dma_start3A_472] : memref<320000x128xf32, #tpu.memory_space<hbm>> -> memref<80x128xf32, #tpu.memory_space<hbm>>
        tpu.enqueue_dma source(%dma_start3A_473 : memref<80x128xf32, #tpu.memory_space<hbm>>) target(%dma_start3A_471 : memref<80x128xf32, #tpu.memory_space<vmem>>) target_semaphore(%arg11 : memref<!tpu.dma_semaphore, #tpu.memory_space<semaphore_mem>>)
      } else {
      }
      %jit3A_302 = arith.constant 4 : i32
      %eq3A_303 = arith.constant 0 : i32
      %eq3A_304 = arith.cmpi eq, %jit3A_302, %eq3A_303 : i32
      %jit3A_305 = arith.constant 1 : i32
      %select_n3A_306 = arith.select %eq3A_304, %jit3A_305, %jit3A_302 : i32
      %rem3A_307 = arith.remsi %while3A_292, %select_n3A_306 : i32
      %ne3A_308 = arith.constant 0 : i32
      %ne3A_309 = arith.cmpi ne, %rem3A_307, %ne3A_308 : i32
      %lt3A_310 = arith.constant 0 : i32
      %lt3A_311 = arith.cmpi slt, %rem3A_307, %lt3A_310 : i32
      %lt3A_312 = arith.constant 0 : i32
      %lt3A_313 = arith.cmpi slt, %select_n3A_306, %lt3A_312 : i32
      %ne3A_314 = arith.xori %lt3A_311, %lt3A_313 : i1
      %and3A_315 = arith.andi %ne3A_314, %ne3A_309 : i1
      %add3A_316 = arith.addi %rem3A_307, %select_n3A_306 : i32
      %select_n3A_317 = arith.select %and3A_315, %add3A_316, %rem3A_307 : i32
      %mul3A_318 = arith.constant 80 : i32
      %mul3A_319 = arith.muli %while3A_292, %mul3A_318 : i32
      %dma_wait3A_320 = arith.constant 0 : i32
      %dma_wait3A_321 = arith.constant 0 : i32
      %dma_wait3A_322 = tpu.memref_slice %arg8[%select_n3A_317, %dma_wait3A_320, %dma_wait3A_321] : memref<4x80x128xf32, #tpu.memory_space<vmem>> -> memref<1x80x128xf32, #tpu.memory_space<vmem>>
      %dma_wait3A_323 = tpu.memref_squeeze %dma_wait3A_322 : memref<1x80x128xf32, #tpu.memory_space<vmem>> -> memref<80x128xf32, #tpu.memory_space<vmem>>
      %dma_wait3A_324 = arith.constant 0 : i32
      %dma_wait3A_325 = tpu.memref_slice %arg4[%mul3A_319, %dma_wait3A_324] : memref<320000x128xf32, #tpu.memory_space<hbm>> -> memref<80x128xf32, #tpu.memory_space<hbm>>
      %dma_wait3A_326 = arith.constant 0 : i32
      %dma_wait3A_327 = arith.constant 0 : i32
      %dma_wait3A_328 = tpu.memref_slice %arg8[%select_n3A_317, %dma_wait3A_326, %dma_wait3A_327] : memref<4x80x128xf32, #tpu.memory_space<vmem>> -> memref<1x80x128xf32, #tpu.memory_space<vmem>>
      %dma_wait3A_329 = tpu.memref_squeeze %dma_wait3A_328 : memref<1x80x128xf32, #tpu.memory_space<vmem>> -> memref<80x128xf32, #tpu.memory_space<vmem>>
      %dma_wait3A_330 = arith.constant 0 : i32
      %dma_wait3A_331 = tpu.memref_slice %arg4[%mul3A_319, %dma_wait3A_330] : memref<320000x128xf32, #tpu.memory_space<hbm>> -> memref<80x128xf32, #tpu.memory_space<hbm>>
      tpu.wait_dma2 semaphore(%arg11 : memref<!tpu.dma_semaphore, #tpu.memory_space<semaphore_mem>>) src(%dma_wait3A_331 : memref<80x128xf32, #tpu.memory_space<hbm>>) dst(%dma_wait3A_329 : memref<80x128xf32, #tpu.memory_space<vmem>>)
      %jit3A_332 = arith.constant 4 : i32
      %eq3A_333 = arith.constant 0 : i32
      %eq3A_334 = arith.cmpi eq, %jit3A_332, %eq3A_333 : i32
      %jit3A_335 = arith.constant 1 : i32
      %select_n3A_336 = arith.select %eq3A_334, %jit3A_335, %jit3A_332 : i32
      %rem3A_337 = arith.remsi %while3A_292, %select_n3A_336 : i32
      %ne3A_338 = arith.constant 0 : i32
      %ne3A_339 = arith.cmpi ne, %rem3A_337, %ne3A_338 : i32
      %lt3A_340 = arith.constant 0 : i32
      %lt3A_341 = arith.cmpi slt, %rem3A_337, %lt3A_340 : i32
      %lt3A_342 = arith.constant 0 : i32
      %lt3A_343 = arith.cmpi slt, %select_n3A_336, %lt3A_342 : i32
      %ne3A_344 = arith.xori %lt3A_341, %lt3A_343 : i1
      %and3A_345 = arith.andi %ne3A_344, %ne3A_339 : i1
      %add3A_346 = arith.addi %rem3A_337, %select_n3A_336 : i32
      %select_n3A_347 = arith.select %and3A_345, %add3A_346, %rem3A_337 : i32
      %mul3A_348 = arith.constant 80 : i32
      %mul3A_349 = arith.muli %while3A_292, %mul3A_348 : i32
      %dma_wait3A_350 = arith.constant 0 : i32
      %dma_wait3A_351 = tpu.memref_slice %arg6[%select_n3A_347, %dma_wait3A_350] : memref<4x80xi32, #tpu.memory_space<vmem>> -> memref<1x80xi32, #tpu.memory_space<vmem>>
      %dma_wait3A_352 = tpu.memref_squeeze %dma_wait3A_351 : memref<1x80xi32, #tpu.memory_space<vmem>> -> memref<80xi32, #tpu.memory_space<vmem>>
      %dma_wait3A_353 = tpu.memref_slice %arg3[%mul3A_349] : memref<640000xi32, #tpu.memory_space<hbm>> -> memref<80xi32, #tpu.memory_space<hbm>>
      %dma_wait3A_354 = arith.constant 0 : i32
      %dma_wait3A_355 = tpu.memref_slice %arg6[%select_n3A_347, %dma_wait3A_354] : memref<4x80xi32, #tpu.memory_space<vmem>> -> memref<1x80xi32, #tpu.memory_space<vmem>>
      %dma_wait3A_356 = tpu.memref_squeeze %dma_wait3A_355 : memref<1x80xi32, #tpu.memory_space<vmem>> -> memref<80xi32, #tpu.memory_space<vmem>>
      %dma_wait3A_357 = tpu.memref_slice %arg3[%mul3A_349] : memref<640000xi32, #tpu.memory_space<hbm>> -> memref<80xi32, #tpu.memory_space<hbm>>
      tpu.wait_dma2 semaphore(%arg12 : memref<!tpu.dma_semaphore, #tpu.memory_space<semaphore_mem>>) src(%dma_wait3A_357 : memref<80xi32, #tpu.memory_space<hbm>>) dst(%dma_wait3A_356 : memref<80xi32, #tpu.memory_space<vmem>>)
      %mul3A_358 = arith.constant 80 : i32
      %mul3A_359 = arith.muli %while3A_292, %mul3A_358 : i32
      %add3A_360 = arith.constant 320000 : i32
      %add3A_361 = arith.addi %add3A_360, %mul3A_359 : i32
      %dma_wait3A_362 = arith.constant 0 : i32
      %dma_wait3A_363 = tpu.memref_slice %arg7[%select_n3A_347, %dma_wait3A_362] : memref<4x80xi32, #tpu.memory_space<vmem>> -> memref<1x80xi32, #tpu.memory_space<vmem>>
      %dma_wait3A_364 = tpu.memref_squeeze %dma_wait3A_363 : memref<1x80xi32, #tpu.memory_space<vmem>> -> memref<80xi32, #tpu.memory_space<vmem>>
      %dma_wait3A_365 = tpu.memref_slice %arg3[%add3A_361] : memref<640000xi32, #tpu.memory_space<hbm>> -> memref<80xi32, #tpu.memory_space<hbm>>
      %dma_wait3A_366 = arith.constant 0 : i32
      %dma_wait3A_367 = tpu.memref_slice %arg7[%select_n3A_347, %dma_wait3A_366] : memref<4x80xi32, #tpu.memory_space<vmem>> -> memref<1x80xi32, #tpu.memory_space<vmem>>
      %dma_wait3A_368 = tpu.memref_squeeze %dma_wait3A_367 : memref<1x80xi32, #tpu.memory_space<vmem>> -> memref<80xi32, #tpu.memory_space<vmem>>
      %dma_wait3A_369 = tpu.memref_slice %arg3[%add3A_361] : memref<640000xi32, #tpu.memory_space<hbm>> -> memref<80xi32, #tpu.memory_space<hbm>>
      tpu.wait_dma2 semaphore(%arg12 : memref<!tpu.dma_semaphore, #tpu.memory_space<semaphore_mem>>) src(%dma_wait3A_369 : memref<80xi32, #tpu.memory_space<hbm>>) dst(%dma_wait3A_368 : memref<80xi32, #tpu.memory_space<vmem>>)
      %jit3A_370 = arith.constant 4 : i32
      %eq3A_371 = arith.constant 0 : i32
      %eq3A_372 = arith.cmpi eq, %jit3A_370, %eq3A_371 : i32
      %jit3A_373 = arith.constant 1 : i32
      %select_n3A_374 = arith.select %eq3A_372, %jit3A_373, %jit3A_370 : i32
      %rem3A_375 = arith.remsi %while3A_292, %select_n3A_374 : i32
      %ne3A_376 = arith.constant 0 : i32
      %ne3A_377 = arith.cmpi ne, %rem3A_375, %ne3A_376 : i32
      %lt3A_378 = arith.constant 0 : i32
      %lt3A_379 = arith.cmpi slt, %rem3A_375, %lt3A_378 : i32
      %lt3A_380 = arith.constant 0 : i32
      %lt3A_381 = arith.cmpi slt, %select_n3A_374, %lt3A_380 : i32
      %ne3A_382 = arith.xori %lt3A_379, %lt3A_381 : i1
      %and3A_383 = arith.andi %ne3A_382, %ne3A_377 : i1
      %add3A_384 = arith.addi %rem3A_375, %select_n3A_374 : i32
      %select_n3A_385 = arith.select %and3A_383, %add3A_384, %rem3A_375 : i32
      %dma_start3A_386 = arith.constant 0 : i32
      %dma_start3A_387 = arith.constant 0 : i32
      %dma_start3A_388 = tpu.memref_slice %arg8[%select_n3A_385, %dma_start3A_386, %dma_start3A_387] : memref<4x80x128xf32, #tpu.memory_space<vmem>> -> memref<1x80x128xf32, #tpu.memory_space<vmem>>
      %dma_start3A_389 = tpu.memref_squeeze %dma_start3A_388 : memref<1x80x128xf32, #tpu.memory_space<vmem>> -> memref<80x128xf32, #tpu.memory_space<vmem>>
      %dma_start3A_390 = arith.constant 0 : i32
      %dma_start3A_391 = tpu.memref_slice %arg6[%select_n3A_385, %dma_start3A_390] : memref<4x80xi32, #tpu.memory_space<vmem>> -> memref<1x80xi32, #tpu.memory_space<vmem>>
      %dma_start3A_392 = tpu.memref_squeeze %dma_start3A_391 : memref<1x80xi32, #tpu.memory_space<vmem>> -> memref<80xi32, #tpu.memory_space<vmem>>
      %dma_start3A_393 = arith.constant 0 : i32
      %dma_start3A_394 = arith.constant 0 : i32
      %dma_start3A_395 = tpu.memref_slice %arg2[%dma_start3A_393, %dma_start3A_394] : memref<10000x128xf32, #tpu.memory_space<hbm>> -> memref<10000x128xf32, #tpu.memory_space<hbm>>
      tpu.enqueue_indirect_dma source(%dma_start3A_395 : memref<10000x128xf32, #tpu.memory_space<hbm>>) target(%dma_start3A_389 : memref<80x128xf32, #tpu.memory_space<vmem>>) offsets(%dma_start3A_392 : memref<80xi32, #tpu.memory_space<vmem>>) semaphore(%arg10 : memref<!tpu.dma_semaphore, #tpu.memory_space<semaphore_mem>>) {add = true}
      %sub3A_396 = arith.constant 1 : i32
      %sub3A_397 = arith.subi %while3A_292, %sub3A_396 : i32
      %ge3A_398 = arith.cmpi sge, %sub3A_397, %mul3A_33 : i32
      %convert_element_type3A_399 = arith.extui %ge3A_398 : i1 to i32
      %cond3A_400 = arith.constant 0 : i32
      %cond3A_401 = arith.cmpi ne, %convert_element_type3A_399, %cond3A_400 : i32
      scf.if %cond3A_401 {
        %sub3A_402 = arith.constant 1 : i32
        %sub3A_403 = arith.subi %while3A_292, %sub3A_402 : i32
        %jit3A_404 = arith.constant 4 : i32
        %eq3A_405 = arith.constant 0 : i32
        %eq3A_406 = arith.cmpi eq, %jit3A_404, %eq3A_405 : i32
        %jit3A_407 = arith.constant 1 : i32
        %select_n3A_408 = arith.select %eq3A_406, %jit3A_407, %jit3A_404 : i32
        %rem3A_409 = arith.remsi %sub3A_403, %select_n3A_408 : i32
        %ne3A_410 = arith.constant 0 : i32
        %ne3A_411 = arith.cmpi ne, %rem3A_409, %ne3A_410 : i32
        %lt3A_412 = arith.constant 0 : i32
        %lt3A_413 = arith.cmpi slt, %rem3A_409, %lt3A_412 : i32
        %lt3A_414 = arith.constant 0 : i32
        %lt3A_415 = arith.cmpi slt, %select_n3A_408, %lt3A_414 : i32
        %ne3A_416 = arith.xori %lt3A_413, %lt3A_415 : i1
        %and3A_417 = arith.andi %ne3A_416, %ne3A_411 : i1
        %add3A_418 = arith.addi %rem3A_409, %select_n3A_408 : i32
        %select_n3A_419 = arith.select %and3A_417, %add3A_418, %rem3A_409 : i32
        %dma_wait3A_420 = arith.constant 0 : i32
        %dma_wait3A_421 = arith.constant 0 : i32
        %dma_wait3A_422 = tpu.memref_slice %arg8[%select_n3A_419, %dma_wait3A_420, %dma_wait3A_421] : memref<4x80x128xf32, #tpu.memory_space<vmem>> -> memref<1x80x128xf32, #tpu.memory_space<vmem>>
        %dma_wait3A_423 = tpu.memref_squeeze %dma_wait3A_422 : memref<1x80x128xf32, #tpu.memory_space<vmem>> -> memref<80x128xf32, #tpu.memory_space<vmem>>
        %dma_wait3A_424 = arith.constant 0 : i32
        %dma_wait3A_425 = tpu.memref_slice %arg6[%select_n3A_419, %dma_wait3A_424] : memref<4x80xi32, #tpu.memory_space<vmem>> -> memref<1x80xi32, #tpu.memory_space<vmem>>
        %dma_wait3A_426 = tpu.memref_squeeze %dma_wait3A_425 : memref<1x80xi32, #tpu.memory_space<vmem>> -> memref<80xi32, #tpu.memory_space<vmem>>
        %dma_wait3A_427 = arith.constant 0 : i32
        %dma_wait3A_428 = arith.constant 0 : i32
        %dma_wait3A_429 = tpu.memref_slice %arg2[%dma_wait3A_427, %dma_wait3A_428] : memref<10000x128xf32, #tpu.memory_space<hbm>> -> memref<10000x128xf32, #tpu.memory_space<hbm>>
        tpu.wait_indirect_dma semaphore(%arg10 : memref<!tpu.dma_semaphore, #tpu.memory_space<semaphore_mem>>) src(%dma_wait3A_429 : memref<10000x128xf32, #tpu.memory_space<hbm>>) dst(%dma_wait3A_423 : memref<80x128xf32, #tpu.memory_space<vmem>>)
        %sub3A_430 = arith.constant 1 : i32
        %sub3A_431 = arith.subi %while3A_292, %sub3A_430 : i32
        %jit3A_432 = arith.constant 4 : i32
        %eq3A_433 = arith.constant 0 : i32
        %eq3A_434 = arith.cmpi eq, %jit3A_432, %eq3A_433 : i32
        %jit3A_435 = arith.constant 1 : i32
        %select_n3A_436 = arith.select %eq3A_434, %jit3A_435, %jit3A_432 : i32
        %rem3A_437 = arith.remsi %sub3A_431, %select_n3A_436 : i32
        %ne3A_438 = arith.constant 0 : i32
        %ne3A_439 = arith.cmpi ne, %rem3A_437, %ne3A_438 : i32
        %lt3A_440 = arith.constant 0 : i32
        %lt3A_441 = arith.cmpi slt, %rem3A_437, %lt3A_440 : i32
        %lt3A_442 = arith.constant 0 : i32
        %lt3A_443 = arith.cmpi slt, %select_n3A_436, %lt3A_442 : i32
        %ne3A_444 = arith.xori %lt3A_441, %lt3A_443 : i1
        %and3A_445 = arith.andi %ne3A_444, %ne3A_439 : i1
        %add3A_446 = arith.addi %rem3A_437, %select_n3A_436 : i32
        %select_n3A_447 = arith.select %and3A_445, %add3A_446, %rem3A_437 : i32
        %dma_start3A_448 = arith.constant 0 : i32
        %dma_start3A_449 = arith.constant 0 : i32
        %dma_start3A_450 = tpu.memref_slice %arg8[%select_n3A_447, %dma_start3A_448, %dma_start3A_449] : memref<4x80x128xf32, #tpu.memory_space<vmem>> -> memref<1x80x128xf32, #tpu.memory_space<vmem>>
        %dma_start3A_451 = tpu.memref_squeeze %dma_start3A_450 : memref<1x80x128xf32, #tpu.memory_space<vmem>> -> memref<80x128xf32, #tpu.memory_space<vmem>>
        %dma_start3A_452 = arith.constant 0 : i32
        %dma_start3A_453 = tpu.memref_slice %arg7[%select_n3A_447, %dma_start3A_452] : memref<4x80xi32, #tpu.memory_space<vmem>> -> memref<1x80xi32, #tpu.memory_space<vmem>>
        %dma_start3A_454 = tpu.memref_squeeze %dma_start3A_453 : memref<1x80xi32, #tpu.memory_space<vmem>> -> memref<80xi32, #tpu.memory_space<vmem>>
        %dma_start3A_455 = arith.constant 0 : i32
        %dma_start3A_456 = arith.constant 0 : i32
        %dma_start3A_457 = tpu.memref_slice %arg9[%dma_start3A_455, %dma_start3A_456] : memref<10112x128xf32, #tpu.memory_space<vmem_shared>> -> memref<10112x128xf32, #tpu.memory_space<vmem_shared>>
        tpu.enqueue_indirect_dma source(%dma_start3A_451 : memref<80x128xf32, #tpu.memory_space<vmem>>) target(%dma_start3A_457 : memref<10112x128xf32, #tpu.memory_space<vmem_shared>>) offsets(%dma_start3A_454 : memref<80xi32, #tpu.memory_space<vmem>>) semaphore(%arg13 : memref<!tpu.dma_semaphore, #tpu.memory_space<semaphore_mem>>) {add = true}
      } else {
      }
    }
    %while3A_175 = arith.constant 1 : i32
    scf.for %while3A_292 = %while3A_173 to %while3A_169 step %while3A_175  : i32 {
      %sub3A_293 = arith.constant 2 : i32
      %sub3A_294 = arith.subi %while3A_292, %sub3A_293 : i32
      %ge3A = arith.cmpi sge, %sub3A_294, %mul3A_33 : i32
      %convert_element_type3A = arith.extui %ge3A : i1 to i32
      %cond3A = arith.constant 0 : i32
      %cond3A_295 = arith.cmpi ne, %convert_element_type3A, %cond3A : i32
      scf.if %cond3A_295 {
        %sub3A_402 = arith.constant 2 : i32
        %sub3A_403 = arith.subi %while3A_292, %sub3A_402 : i32
        %jit3A_404 = arith.constant 4 : i32
        %eq3A_405 = arith.constant 0 : i32
        %eq3A_406 = arith.cmpi eq, %jit3A_404, %eq3A_405 : i32
        %jit3A_407 = arith.constant 1 : i32
        %select_n3A_408 = arith.select %eq3A_406, %jit3A_407, %jit3A_404 : i32
        %rem3A_409 = arith.remsi %sub3A_403, %select_n3A_408 : i32
        %ne3A_410 = arith.constant 0 : i32
        %ne3A_411 = arith.cmpi ne, %rem3A_409, %ne3A_410 : i32
        %lt3A_412 = arith.constant 0 : i32
        %lt3A_413 = arith.cmpi slt, %rem3A_409, %lt3A_412 : i32
        %lt3A_414 = arith.constant 0 : i32
        %lt3A_415 = arith.cmpi slt, %select_n3A_408, %lt3A_414 : i32
        %ne3A_416 = arith.xori %lt3A_413, %lt3A_415 : i1
        %and3A_417 = arith.andi %ne3A_416, %ne3A_411 : i1
        %add3A_418 = arith.addi %rem3A_409, %select_n3A_408 : i32
        %select_n3A_419 = arith.select %and3A_417, %add3A_418, %rem3A_409 : i32
        %dma_wait3A_420 = arith.constant 0 : i32
        %dma_wait3A_421 = arith.constant 0 : i32
        %dma_wait3A_422 = tpu.memref_slice %arg8[%select_n3A_419, %dma_wait3A_420, %dma_wait3A_421] : memref<4x80x128xf32, #tpu.memory_space<vmem>> -> memref<1x80x128xf32, #tpu.memory_space<vmem>>
        %dma_wait3A_423 = tpu.memref_squeeze %dma_wait3A_422 : memref<1x80x128xf32, #tpu.memory_space<vmem>> -> memref<80x128xf32, #tpu.memory_space<vmem>>
        %dma_wait3A_424 = arith.constant 0 : i32
        %dma_wait3A_425 = tpu.memref_slice %arg7[%select_n3A_419, %dma_wait3A_424] : memref<4x80xi32, #tpu.memory_space<vmem>> -> memref<1x80xi32, #tpu.memory_space<vmem>>
        %dma_wait3A_426 = tpu.memref_squeeze %dma_wait3A_425 : memref<1x80xi32, #tpu.memory_space<vmem>> -> memref<80xi32, #tpu.memory_space<vmem>>
        %dma_wait3A_427 = arith.constant 0 : i32
        %dma_wait3A_428 = arith.constant 0 : i32
        %dma_wait3A_429 = tpu.memref_slice %arg9[%dma_wait3A_427, %dma_wait3A_428] : memref<10112x128xf32, #tpu.memory_space<vmem_shared>> -> memref<10112x128xf32, #tpu.memory_space<vmem_shared>>
        tpu.wait_indirect_dma semaphore(%arg13 : memref<!tpu.dma_semaphore, #tpu.memory_space<semaphore_mem>>) src(%dma_wait3A_423 : memref<80x128xf32, #tpu.memory_space<vmem>>) dst(%dma_wait3A_429 : memref<10112x128xf32, #tpu.memory_space<vmem_shared>>)
      } else {
      }
      %add3A_296 = arith.constant 2 : i32
      %add3A_297 = arith.addi %while3A_292, %add3A_296 : i32
      %lt3A_298 = arith.cmpi slt, %add3A_297, %add3A_35 : i32
      %convert_element_type3A_299 = arith.extui %lt3A_298 : i1 to i32
      %cond3A_300 = arith.constant 0 : i32
      %cond3A_301 = arith.cmpi ne, %convert_element_type3A_299, %cond3A_300 : i32
      scf.if %cond3A_301 {
        %add3A_402 = arith.constant 2 : i32
        %add3A_403 = arith.addi %while3A_292, %add3A_402 : i32
        %jit3A_404 = arith.constant 4 : i32
        %eq3A_405 = arith.constant 0 : i32
        %eq3A_406 = arith.cmpi eq, %jit3A_404, %eq3A_405 : i32
        %jit3A_407 = arith.constant 1 : i32
        %select_n3A_408 = arith.select %eq3A_406, %jit3A_407, %jit3A_404 : i32
        %rem3A_409 = arith.remsi %add3A_403, %select_n3A_408 : i32
        %ne3A_410 = arith.constant 0 : i32
        %ne3A_411 = arith.cmpi ne, %rem3A_409, %ne3A_410 : i32
        %lt3A_412 = arith.constant 0 : i32
        %lt3A_413 = arith.cmpi slt, %rem3A_409, %lt3A_412 : i32
        %lt3A_414 = arith.constant 0 : i32
        %lt3A_415 = arith.cmpi slt, %select_n3A_408, %lt3A_414 : i32
        %ne3A_416 = arith.xori %lt3A_413, %lt3A_415 : i1
        %and3A_417 = arith.andi %ne3A_416, %ne3A_411 : i1
        %add3A_418 = arith.addi %rem3A_409, %select_n3A_408 : i32
        %select_n3A_419 = arith.select %and3A_417, %add3A_418, %rem3A_409 : i32
        %mul3A_420 = arith.constant 80 : i32
        %mul3A_421 = arith.muli %add3A_403, %mul3A_420 : i32
        %dma_start3A_422 = arith.constant 0 : i32
        %dma_start3A_423 = tpu.memref_slice %arg6[%select_n3A_419, %dma_start3A_422] : memref<4x80xi32, #tpu.memory_space<vmem>> -> memref<1x80xi32, #tpu.memory_space<vmem>>
        %dma_start3A_424 = tpu.memref_squeeze %dma_start3A_423 : memref<1x80xi32, #tpu.memory_space<vmem>> -> memref<80xi32, #tpu.memory_space<vmem>>
        %dma_start3A_425 = tpu.memref_slice %arg3[%mul3A_421] : memref<640000xi32, #tpu.memory_space<hbm>> -> memref<80xi32, #tpu.memory_space<hbm>>
        %dma_start3A_426 = arith.constant 0 : i32
        %dma_start3A_427 = tpu.memref_slice %arg6[%select_n3A_419, %dma_start3A_426] : memref<4x80xi32, #tpu.memory_space<vmem>> -> memref<1x80xi32, #tpu.memory_space<vmem>>
        %dma_start3A_428 = tpu.memref_squeeze %dma_start3A_427 : memref<1x80xi32, #tpu.memory_space<vmem>> -> memref<80xi32, #tpu.memory_space<vmem>>
        %dma_start3A_429 = tpu.memref_slice %arg3[%mul3A_421] : memref<640000xi32, #tpu.memory_space<hbm>> -> memref<80xi32, #tpu.memory_space<hbm>>
        tpu.enqueue_dma source(%dma_start3A_429 : memref<80xi32, #tpu.memory_space<hbm>>) target(%dma_start3A_428 : memref<80xi32, #tpu.memory_space<vmem>>) target_semaphore(%arg12 : memref<!tpu.dma_semaphore, #tpu.memory_space<semaphore_mem>>)
        %mul3A_430 = arith.constant 80 : i32
        %mul3A_431 = arith.muli %add3A_403, %mul3A_430 : i32
        %add3A_432 = arith.constant 320000 : i32
        %add3A_433 = arith.addi %add3A_432, %mul3A_431 : i32
        %dma_start3A_434 = arith.constant 0 : i32
        %dma_start3A_435 = tpu.memref_slice %arg7[%select_n3A_419, %dma_start3A_434] : memref<4x80xi32, #tpu.memory_space<vmem>> -> memref<1x80xi32, #tpu.memory_space<vmem>>
        %dma_start3A_436 = tpu.memref_squeeze %dma_start3A_435 : memref<1x80xi32, #tpu.memory_space<vmem>> -> memref<80xi32, #tpu.memory_space<vmem>>
        %dma_start3A_437 = tpu.memref_slice %arg3[%add3A_433] : memref<640000xi32, #tpu.memory_space<hbm>> -> memref<80xi32, #tpu.memory_space<hbm>>
        %dma_start3A_438 = arith.constant 0 : i32
        %dma_start3A_439 = tpu.memref_slice %arg7[%select_n3A_419, %dma_start3A_438] : memref<4x80xi32, #tpu.memory_space<vmem>> -> memref<1x80xi32, #tpu.memory_space<vmem>>
        %dma_start3A_440 = tpu.memref_squeeze %dma_start3A_439 : memref<1x80xi32, #tpu.memory_space<vmem>> -> memref<80xi32, #tpu.memory_space<vmem>>
        %dma_start3A_441 = tpu.memref_slice %arg3[%add3A_433] : memref<640000xi32, #tpu.memory_space<hbm>> -> memref<80xi32, #tpu.memory_space<hbm>>
        tpu.enqueue_dma source(%dma_start3A_441 : memref<80xi32, #tpu.memory_space<hbm>>) target(%dma_start3A_440 : memref<80xi32, #tpu.memory_space<vmem>>) target_semaphore(%arg12 : memref<!tpu.dma_semaphore, #tpu.memory_space<semaphore_mem>>)
        %add3A_442 = arith.constant 2 : i32
        %add3A_443 = arith.addi %while3A_292, %add3A_442 : i32
        %jit3A_444 = arith.constant 4 : i32
        %eq3A_445 = arith.constant 0 : i32
        %eq3A_446 = arith.cmpi eq, %jit3A_444, %eq3A_445 : i32
        %jit3A_447 = arith.constant 1 : i32
        %select_n3A_448 = arith.select %eq3A_446, %jit3A_447, %jit3A_444 : i32
        %rem3A_449 = arith.remsi %add3A_443, %select_n3A_448 : i32
        %ne3A_450 = arith.constant 0 : i32
        %ne3A_451 = arith.cmpi ne, %rem3A_449, %ne3A_450 : i32
        %lt3A_452 = arith.constant 0 : i32
        %lt3A_453 = arith.cmpi slt, %rem3A_449, %lt3A_452 : i32
        %lt3A_454 = arith.constant 0 : i32
        %lt3A_455 = arith.cmpi slt, %select_n3A_448, %lt3A_454 : i32
        %ne3A_456 = arith.xori %lt3A_453, %lt3A_455 : i1
        %and3A_457 = arith.andi %ne3A_456, %ne3A_451 : i1
        %add3A_458 = arith.addi %rem3A_449, %select_n3A_448 : i32
        %select_n3A_459 = arith.select %and3A_457, %add3A_458, %rem3A_449 : i32
        %mul3A_460 = arith.constant 80 : i32
        %mul3A_461 = arith.muli %add3A_443, %mul3A_460 : i32
        %dma_start3A_462 = arith.constant 0 : i32
        %dma_start3A_463 = arith.constant 0 : i32
        %dma_start3A_464 = tpu.memref_slice %arg8[%select_n3A_459, %dma_start3A_462, %dma_start3A_463] : memref<4x80x128xf32, #tpu.memory_space<vmem>> -> memref<1x80x128xf32, #tpu.memory_space<vmem>>
        %dma_start3A_465 = tpu.memref_squeeze %dma_start3A_464 : memref<1x80x128xf32, #tpu.memory_space<vmem>> -> memref<80x128xf32, #tpu.memory_space<vmem>>
        %dma_start3A_466 = arith.constant 0 : i32
        %dma_start3A_467 = tpu.memref_slice %arg4[%mul3A_461, %dma_start3A_466] : memref<320000x128xf32, #tpu.memory_space<hbm>> -> memref<80x128xf32, #tpu.memory_space<hbm>>
        %dma_start3A_468 = arith.constant 0 : i32
        %dma_start3A_469 = arith.constant 0 : i32
        %dma_start3A_470 = tpu.memref_slice %arg8[%select_n3A_459, %dma_start3A_468, %dma_start3A_469] : memref<4x80x128xf32, #tpu.memory_space<vmem>> -> memref<1x80x128xf32, #tpu.memory_space<vmem>>
        %dma_start3A_471 = tpu.memref_squeeze %dma_start3A_470 : memref<1x80x128xf32, #tpu.memory_space<vmem>> -> memref<80x128xf32, #tpu.memory_space<vmem>>
        %dma_start3A_472 = arith.constant 0 : i32
        %dma_start3A_473 = tpu.memref_slice %arg4[%mul3A_461, %dma_start3A_472] : memref<320000x128xf32, #tpu.memory_space<hbm>> -> memref<80x128xf32, #tpu.memory_space<hbm>>
        tpu.enqueue_dma source(%dma_start3A_473 : memref<80x128xf32, #tpu.memory_space<hbm>>) target(%dma_start3A_471 : memref<80x128xf32, #tpu.memory_space<vmem>>) target_semaphore(%arg11 : memref<!tpu.dma_semaphore, #tpu.memory_space<semaphore_mem>>)
      } else {
      }
      %jit3A_302 = arith.constant 4 : i32
      %eq3A_303 = arith.constant 0 : i32
      %eq3A_304 = arith.cmpi eq, %jit3A_302, %eq3A_303 : i32
      %jit3A_305 = arith.constant 1 : i32
      %select_n3A_306 = arith.select %eq3A_304, %jit3A_305, %jit3A_302 : i32
      %rem3A_307 = arith.remsi %while3A_292, %select_n3A_306 : i32
      %ne3A_308 = arith.constant 0 : i32
      %ne3A_309 = arith.cmpi ne, %rem3A_307, %ne3A_308 : i32
      %lt3A_310 = arith.constant 0 : i32
      %lt3A_311 = arith.cmpi slt, %rem3A_307, %lt3A_310 : i32
      %lt3A_312 = arith.constant 0 : i32
      %lt3A_313 = arith.cmpi slt, %select_n3A_306, %lt3A_312 : i32
      %ne3A_314 = arith.xori %lt3A_311, %lt3A_313 : i1
      %and3A_315 = arith.andi %ne3A_314, %ne3A_309 : i1
      %add3A_316 = arith.addi %rem3A_307, %select_n3A_306 : i32
      %select_n3A_317 = arith.select %and3A_315, %add3A_316, %rem3A_307 : i32
      %mul3A_318 = arith.constant 80 : i32
      %mul3A_319 = arith.muli %while3A_292, %mul3A_318 : i32
      %dma_wait3A_320 = arith.constant 0 : i32
      %dma_wait3A_321 = arith.constant 0 : i32
      %dma_wait3A_322 = tpu.memref_slice %arg8[%select_n3A_317, %dma_wait3A_320, %dma_wait3A_321] : memref<4x80x128xf32, #tpu.memory_space<vmem>> -> memref<1x80x128xf32, #tpu.memory_space<vmem>>
      %dma_wait3A_323 = tpu.memref_squeeze %dma_wait3A_322 : memref<1x80x128xf32, #tpu.memory_space<vmem>> -> memref<80x128xf32, #tpu.memory_space<vmem>>
      %dma_wait3A_324 = arith.constant 0 : i32
      %dma_wait3A_325 = tpu.memref_slice %arg4[%mul3A_319, %dma_wait3A_324] : memref<320000x128xf32, #tpu.memory_space<hbm>> -> memref<80x128xf32, #tpu.memory_space<hbm>>
      %dma_wait3A_326 = arith.constant 0 : i32
      %dma_wait3A_327 = arith.constant 0 : i32
      %dma_wait3A_328 = tpu.memref_slice %arg8[%select_n3A_317, %dma_wait3A_326, %dma_wait3A_327] : memref<4x80x128xf32, #tpu.memory_space<vmem>> -> memref<1x80x128xf32, #tpu.memory_space<vmem>>
      %dma_wait3A_329 = tpu.memref_squeeze %dma_wait3A_328 : memref<1x80x128xf32, #tpu.memory_space<vmem>> -> memref<80x128xf32, #tpu.memory_space<vmem>>
      %dma_wait3A_330 = arith.constant 0 : i32
      %dma_wait3A_331 = tpu.memref_slice %arg4[%mul3A_319, %dma_wait3A_330] : memref<320000x128xf32, #tpu.memory_space<hbm>> -> memref<80x128xf32, #tpu.memory_space<hbm>>
      tpu.wait_dma2 semaphore(%arg11 : memref<!tpu.dma_semaphore, #tpu.memory_space<semaphore_mem>>) src(%dma_wait3A_331 : memref<80x128xf32, #tpu.memory_space<hbm>>) dst(%dma_wait3A_329 : memref<80x128xf32, #tpu.memory_space<vmem>>)
      %jit3A_332 = arith.constant 4 : i32
      %eq3A_333 = arith.constant 0 : i32
      %eq3A_334 = arith.cmpi eq, %jit3A_332, %eq3A_333 : i32
      %jit3A_335 = arith.constant 1 : i32
      %select_n3A_336 = arith.select %eq3A_334, %jit3A_335, %jit3A_332 : i32
      %rem3A_337 = arith.remsi %while3A_292, %select_n3A_336 : i32
      %ne3A_338 = arith.constant 0 : i32
      %ne3A_339 = arith.cmpi ne, %rem3A_337, %ne3A_338 : i32
      %lt3A_340 = arith.constant 0 : i32
      %lt3A_341 = arith.cmpi slt, %rem3A_337, %lt3A_340 : i32
      %lt3A_342 = arith.constant 0 : i32
      %lt3A_343 = arith.cmpi slt, %select_n3A_336, %lt3A_342 : i32
      %ne3A_344 = arith.xori %lt3A_341, %lt3A_343 : i1
      %and3A_345 = arith.andi %ne3A_344, %ne3A_339 : i1
      %add3A_346 = arith.addi %rem3A_337, %select_n3A_336 : i32
      %select_n3A_347 = arith.select %and3A_345, %add3A_346, %rem3A_337 : i32
      %mul3A_348 = arith.constant 80 : i32
      %mul3A_349 = arith.muli %while3A_292, %mul3A_348 : i32
      %dma_wait3A_350 = arith.constant 0 : i32
      %dma_wait3A_351 = tpu.memref_slice %arg6[%select_n3A_347, %dma_wait3A_350] : memref<4x80xi32, #tpu.memory_space<vmem>> -> memref<1x80xi32, #tpu.memory_space<vmem>>
      %dma_wait3A_352 = tpu.memref_squeeze %dma_wait3A_351 : memref<1x80xi32, #tpu.memory_space<vmem>> -> memref<80xi32, #tpu.memory_space<vmem>>
      %dma_wait3A_353 = tpu.memref_slice %arg3[%mul3A_349] : memref<640000xi32, #tpu.memory_space<hbm>> -> memref<80xi32, #tpu.memory_space<hbm>>
      %dma_wait3A_354 = arith.constant 0 : i32
      %dma_wait3A_355 = tpu.memref_slice %arg6[%select_n3A_347, %dma_wait3A_354] : memref<4x80xi32, #tpu.memory_space<vmem>> -> memref<1x80xi32, #tpu.memory_space<vmem>>
      %dma_wait3A_356 = tpu.memref_squeeze %dma_wait3A_355 : memref<1x80xi32, #tpu.memory_space<vmem>> -> memref<80xi32, #tpu.memory_space<vmem>>
      %dma_wait3A_357 = tpu.memref_slice %arg3[%mul3A_349] : memref<640000xi32, #tpu.memory_space<hbm>> -> memref<80xi32, #tpu.memory_space<hbm>>
      tpu.wait_dma2 semaphore(%arg12 : memref<!tpu.dma_semaphore, #tpu.memory_space<semaphore_mem>>) src(%dma_wait3A_357 : memref<80xi32, #tpu.memory_space<hbm>>) dst(%dma_wait3A_356 : memref<80xi32, #tpu.memory_space<vmem>>)
      %mul3A_358 = arith.constant 80 : i32
      %mul3A_359 = arith.muli %while3A_292, %mul3A_358 : i32
      %add3A_360 = arith.constant 320000 : i32
      %add3A_361 = arith.addi %add3A_360, %mul3A_359 : i32
      %dma_wait3A_362 = arith.constant 0 : i32
      %dma_wait3A_363 = tpu.memref_slice %arg7[%select_n3A_347, %dma_wait3A_362] : memref<4x80xi32, #tpu.memory_space<vmem>> -> memref<1x80xi32, #tpu.memory_space<vmem>>
      %dma_wait3A_364 = tpu.memref_squeeze %dma_wait3A_363 : memref<1x80xi32, #tpu.memory_space<vmem>> -> memref<80xi32, #tpu.memory_space<vmem>>
      %dma_wait3A_365 = tpu.memref_slice %arg3[%add3A_361] : memref<640000xi32, #tpu.memory_space<hbm>> -> memref<80xi32, #tpu.memory_space<hbm>>
      %dma_wait3A_366 = arith.constant 0 : i32
      %dma_wait3A_367 = tpu.memref_slice %arg7[%select_n3A_347, %dma_wait3A_366] : memref<4x80xi32, #tpu.memory_space<vmem>> -> memref<1x80xi32, #tpu.memory_space<vmem>>
      %dma_wait3A_368 = tpu.memref_squeeze %dma_wait3A_367 : memref<1x80xi32, #tpu.memory_space<vmem>> -> memref<80xi32, #tpu.memory_space<vmem>>
      %dma_wait3A_369 = tpu.memref_slice %arg3[%add3A_361] : memref<640000xi32, #tpu.memory_space<hbm>> -> memref<80xi32, #tpu.memory_space<hbm>>
      tpu.wait_dma2 semaphore(%arg12 : memref<!tpu.dma_semaphore, #tpu.memory_space<semaphore_mem>>) src(%dma_wait3A_369 : memref<80xi32, #tpu.memory_space<hbm>>) dst(%dma_wait3A_368 : memref<80xi32, #tpu.memory_space<vmem>>)
      %jit3A_370 = arith.constant 4 : i32
      %eq3A_371 = arith.constant 0 : i32
      %eq3A_372 = arith.cmpi eq, %jit3A_370, %eq3A_371 : i32
      %jit3A_373 = arith.constant 1 : i32
      %select_n3A_374 = arith.select %eq3A_372, %jit3A_373, %jit3A_370 : i32
      %rem3A_375 = arith.remsi %while3A_292, %select_n3A_374 : i32
      %ne3A_376 = arith.constant 0 : i32
      %ne3A_377 = arith.cmpi ne, %rem3A_375, %ne3A_376 : i32
      %lt3A_378 = arith.constant 0 : i32
      %lt3A_379 = arith.cmpi slt, %rem3A_375, %lt3A_378 : i32
      %lt3A_380 = arith.constant 0 : i32
      %lt3A_381 = arith.cmpi slt, %select_n3A_374, %lt3A_380 : i32
      %ne3A_382 = arith.xori %lt3A_379, %lt3A_381 : i1
      %and3A_383 = arith.andi %ne3A_382, %ne3A_377 : i1
      %add3A_384 = arith.addi %rem3A_375, %select_n3A_374 : i32
      %select_n3A_385 = arith.select %and3A_383, %add3A_384, %rem3A_375 : i32
      %dma_start3A_386 = arith.constant 0 : i32
      %dma_start3A_387 = arith.constant 0 : i32
      %dma_start3A_388 = tpu.memref_slice %arg8[%select_n3A_385, %dma_start3A_386, %dma_start3A_387] : memref<4x80x128xf32, #tpu.memory_space<vmem>> -> memref<1x80x128xf32, #tpu.memory_space<vmem>>
      %dma_start3A_389 = tpu.memref_squeeze %dma_start3A_388 : memref<1x80x128xf32, #tpu.memory_space<vmem>> -> memref<80x128xf32, #tpu.memory_space<vmem>>
      %dma_start3A_390 = arith.constant 0 : i32
      %dma_start3A_391 = tpu.memref_slice %arg6[%select_n3A_385, %dma_start3A_390] : memref<4x80xi32, #tpu.memory_space<vmem>> -> memref<1x80xi32, #tpu.memory_space<vmem>>
      %dma_start3A_392 = tpu.memref_squeeze %dma_start3A_391 : memref<1x80xi32, #tpu.memory_space<vmem>> -> memref<80xi32, #tpu.memory_space<vmem>>
      %dma_start3A_393 = arith.constant 0 : i32
      %dma_start3A_394 = arith.constant 0 : i32
      %dma_start3A_395 = tpu.memref_slice %arg2[%dma_start3A_393, %dma_start3A_394] : memref<10000x128xf32, #tpu.memory_space<hbm>> -> memref<10000x128xf32, #tpu.memory_space<hbm>>
      tpu.enqueue_indirect_dma source(%dma_start3A_395 : memref<10000x128xf32, #tpu.memory_space<hbm>>) target(%dma_start3A_389 : memref<80x128xf32, #tpu.memory_space<vmem>>) offsets(%dma_start3A_392 : memref<80xi32, #tpu.memory_space<vmem>>) semaphore(%arg10 : memref<!tpu.dma_semaphore, #tpu.memory_space<semaphore_mem>>) {add = true}
      %sub3A_396 = arith.constant 1 : i32
      %sub3A_397 = arith.subi %while3A_292, %sub3A_396 : i32
      %ge3A_398 = arith.cmpi sge, %sub3A_397, %mul3A_33 : i32
      %convert_element_type3A_399 = arith.extui %ge3A_398 : i1 to i32
      %cond3A_400 = arith.constant 0 : i32
      %cond3A_401 = arith.cmpi ne, %convert_element_type3A_399, %cond3A_400 : i32
      scf.if %cond3A_401 {
        %sub3A_402 = arith.constant 1 : i32
        %sub3A_403 = arith.subi %while3A_292, %sub3A_402 : i32
        %jit3A_404 = arith.constant 4 : i32
        %eq3A_405 = arith.constant 0 : i32
        %eq3A_406 = arith.cmpi eq, %jit3A_404, %eq3A_405 : i32
        %jit3A_407 = arith.constant 1 : i32
        %select_n3A_408 = arith.select %eq3A_406, %jit3A_407, %jit3A_404 : i32
        %rem3A_409 = arith.remsi %sub3A_403, %select_n3A_408 : i32
        %ne3A_410 = arith.constant 0 : i32
        %ne3A_411 = arith.cmpi ne, %rem3A_409, %ne3A_410 : i32
        %lt3A_412 = arith.constant 0 : i32
        %lt3A_413 = arith.cmpi slt, %rem3A_409, %lt3A_412 : i32
        %lt3A_414 = arith.constant 0 : i32
        %lt3A_415 = arith.cmpi slt, %select_n3A_408, %lt3A_414 : i32
        %ne3A_416 = arith.xori %lt3A_413, %lt3A_415 : i1
        %and3A_417 = arith.andi %ne3A_416, %ne3A_411 : i1
        %add3A_418 = arith.addi %rem3A_409, %select_n3A_408 : i32
        %select_n3A_419 = arith.select %and3A_417, %add3A_418, %rem3A_409 : i32
        %dma_wait3A_420 = arith.constant 0 : i32
        %dma_wait3A_421 = arith.constant 0 : i32
        %dma_wait3A_422 = tpu.memref_slice %arg8[%select_n3A_419, %dma_wait3A_420, %dma_wait3A_421] : memref<4x80x128xf32, #tpu.memory_space<vmem>> -> memref<1x80x128xf32, #tpu.memory_space<vmem>>
        %dma_wait3A_423 = tpu.memref_squeeze %dma_wait3A_422 : memref<1x80x128xf32, #tpu.memory_space<vmem>> -> memref<80x128xf32, #tpu.memory_space<vmem>>
        %dma_wait3A_424 = arith.constant 0 : i32
        %dma_wait3A_425 = tpu.memref_slice %arg6[%select_n3A_419, %dma_wait3A_424] : memref<4x80xi32, #tpu.memory_space<vmem>> -> memref<1x80xi32, #tpu.memory_space<vmem>>
        %dma_wait3A_426 = tpu.memref_squeeze %dma_wait3A_425 : memref<1x80xi32, #tpu.memory_space<vmem>> -> memref<80xi32, #tpu.memory_space<vmem>>
        %dma_wait3A_427 = arith.constant 0 : i32
        %dma_wait3A_428 = arith.constant 0 : i32
        %dma_wait3A_429 = tpu.memref_slice %arg2[%dma_wait3A_427, %dma_wait3A_428] : memref<10000x128xf32, #tpu.memory_space<hbm>> -> memref<10000x128xf32, #tpu.memory_space<hbm>>
        tpu.wait_indirect_dma semaphore(%arg10 : memref<!tpu.dma_semaphore, #tpu.memory_space<semaphore_mem>>) src(%dma_wait3A_429 : memref<10000x128xf32, #tpu.memory_space<hbm>>) dst(%dma_wait3A_423 : memref<80x128xf32, #tpu.memory_space<vmem>>)
        %sub3A_430 = arith.constant 1 : i32
        %sub3A_431 = arith.subi %while3A_292, %sub3A_430 : i32
        %jit3A_432 = arith.constant 4 : i32
        %eq3A_433 = arith.constant 0 : i32
        %eq3A_434 = arith.cmpi eq, %jit3A_432, %eq3A_433 : i32
        %jit3A_435 = arith.constant 1 : i32
        %select_n3A_436 = arith.select %eq3A_434, %jit3A_435, %jit3A_432 : i32
        %rem3A_437 = arith.remsi %sub3A_431, %select_n3A_436 : i32
        %ne3A_438 = arith.constant 0 : i32
        %ne3A_439 = arith.cmpi ne, %rem3A_437, %ne3A_438 : i32
        %lt3A_440 = arith.constant 0 : i32
        %lt3A_441 = arith.cmpi slt, %rem3A_437, %lt3A_440 : i32
        %lt3A_442 = arith.constant 0 : i32
        %lt3A_443 = arith.cmpi slt, %select_n3A_436, %lt3A_442 : i32
        %ne3A_444 = arith.xori %lt3A_441, %lt3A_443 : i1
        %and3A_445 = arith.andi %ne3A_444, %ne3A_439 : i1
        %add3A_446 = arith.addi %rem3A_437, %select_n3A_436 : i32
        %select_n3A_447 = arith.select %and3A_445, %add3A_446, %rem3A_437 : i32
        %dma_start3A_448 = arith.constant 0 : i32
        %dma_start3A_449 = arith.constant 0 : i32
        %dma_start3A_450 = tpu.memref_slice %arg8[%select_n3A_447, %dma_start3A_448, %dma_start3A_449] : memref<4x80x128xf32, #tpu.memory_space<vmem>> -> memref<1x80x128xf32, #tpu.memory_space<vmem>>
        %dma_start3A_451 = tpu.memref_squeeze %dma_start3A_450 : memref<1x80x128xf32, #tpu.memory_space<vmem>> -> memref<80x128xf32, #tpu.memory_space<vmem>>
        %dma_start3A_452 = arith.constant 0 : i32
        %dma_start3A_453 = tpu.memref_slice %arg7[%select_n3A_447, %dma_start3A_452] : memref<4x80xi32, #tpu.memory_space<vmem>> -> memref<1x80xi32, #tpu.memory_space<vmem>>
        %dma_start3A_454 = tpu.memref_squeeze %dma_start3A_453 : memref<1x80xi32, #tpu.memory_space<vmem>> -> memref<80xi32, #tpu.memory_space<vmem>>
        %dma_start3A_455 = arith.constant 0 : i32
        %dma_start3A_456 = arith.constant 0 : i32
        %dma_start3A_457 = tpu.memref_slice %arg9[%dma_start3A_455, %dma_start3A_456] : memref<10112x128xf32, #tpu.memory_space<vmem_shared>> -> memref<10112x128xf32, #tpu.memory_space<vmem_shared>>
        tpu.enqueue_indirect_dma source(%dma_start3A_451 : memref<80x128xf32, #tpu.memory_space<vmem>>) target(%dma_start3A_457 : memref<10112x128xf32, #tpu.memory_space<vmem_shared>>) offsets(%dma_start3A_454 : memref<80xi32, #tpu.memory_space<vmem>>) semaphore(%arg13 : memref<!tpu.dma_semaphore, #tpu.memory_space<semaphore_mem>>) {add = true}
      } else {
      }
    }
    %sub3A_176 = arith.constant 1 : i32
    %sub3A_177 = arith.subi %add3A_35, %sub3A_176 : i32
    %jit3A_178 = arith.constant 4 : i32
    %eq3A_179 = arith.constant 0 : i32
    %eq3A_180 = arith.cmpi eq, %jit3A_178, %eq3A_179 : i32
    %jit3A_181 = arith.constant 1 : i32
    %select_n3A_182 = arith.select %eq3A_180, %jit3A_181, %jit3A_178 : i32
    %rem3A_183 = arith.remsi %sub3A_177, %select_n3A_182 : i32
    %ne3A_184 = arith.constant 0 : i32
    %ne3A_185 = arith.cmpi ne, %rem3A_183, %ne3A_184 : i32
    %lt3A_186 = arith.constant 0 : i32
    %lt3A_187 = arith.cmpi slt, %rem3A_183, %lt3A_186 : i32
    %lt3A_188 = arith.constant 0 : i32
    %lt3A_189 = arith.cmpi slt, %select_n3A_182, %lt3A_188 : i32
    %ne3A_190 = arith.xori %lt3A_187, %lt3A_189 : i1
    %and3A_191 = arith.andi %ne3A_190, %ne3A_185 : i1
    %add3A_192 = arith.addi %rem3A_183, %select_n3A_182 : i32
    %select_n3A_193 = arith.select %and3A_191, %add3A_192, %rem3A_183 : i32
    %dma_wait3A = arith.constant 0 : i32
    %dma_wait3A_194 = arith.constant 0 : i32
    %dma_wait3A_195 = tpu.memref_slice %arg8[%select_n3A_193, %dma_wait3A, %dma_wait3A_194] : memref<4x80x128xf32, #tpu.memory_space<vmem>> -> memref<1x80x128xf32, #tpu.memory_space<vmem>>
    %dma_wait3A_196 = tpu.memref_squeeze %dma_wait3A_195 : memref<1x80x128xf32, #tpu.memory_space<vmem>> -> memref<80x128xf32, #tpu.memory_space<vmem>>
    %dma_wait3A_197 = arith.constant 0 : i32
    %dma_wait3A_198 = tpu.memref_slice %arg6[%select_n3A_193, %dma_wait3A_197] : memref<4x80xi32, #tpu.memory_space<vmem>> -> memref<1x80xi32, #tpu.memory_space<vmem>>
    %dma_wait3A_199 = tpu.memref_squeeze %dma_wait3A_198 : memref<1x80xi32, #tpu.memory_space<vmem>> -> memref<80xi32, #tpu.memory_space<vmem>>
    %dma_wait3A_200 = arith.constant 0 : i32
    %dma_wait3A_201 = arith.constant 0 : i32
    %dma_wait3A_202 = tpu.memref_slice %arg2[%dma_wait3A_200, %dma_wait3A_201] : memref<10000x128xf32, #tpu.memory_space<hbm>> -> memref<10000x128xf32, #tpu.memory_space<hbm>>
    tpu.wait_indirect_dma semaphore(%arg10 : memref<!tpu.dma_semaphore, #tpu.memory_space<semaphore_mem>>) src(%dma_wait3A_202 : memref<10000x128xf32, #tpu.memory_space<hbm>>) dst(%dma_wait3A_196 : memref<80x128xf32, #tpu.memory_space<vmem>>)
    %sub3A_203 = arith.constant 1 : i32
    %sub3A_204 = arith.subi %add3A_35, %sub3A_203 : i32
    %jit3A_205 = arith.constant 4 : i32
    %eq3A_206 = arith.constant 0 : i32
    %eq3A_207 = arith.cmpi eq, %jit3A_205, %eq3A_206 : i32
    %jit3A_208 = arith.constant 1 : i32
    %select_n3A_209 = arith.select %eq3A_207, %jit3A_208, %jit3A_205 : i32
    %rem3A_210 = arith.remsi %sub3A_204, %select_n3A_209 : i32
    %ne3A_211 = arith.constant 0 : i32
    %ne3A_212 = arith.cmpi ne, %rem3A_210, %ne3A_211 : i32
    %lt3A_213 = arith.constant 0 : i32
    %lt3A_214 = arith.cmpi slt, %rem3A_210, %lt3A_213 : i32
    %lt3A_215 = arith.constant 0 : i32
    %lt3A_216 = arith.cmpi slt, %select_n3A_209, %lt3A_215 : i32
    %ne3A_217 = arith.xori %lt3A_214, %lt3A_216 : i1
    %and3A_218 = arith.andi %ne3A_217, %ne3A_212 : i1
    %add3A_219 = arith.addi %rem3A_210, %select_n3A_209 : i32
    %select_n3A_220 = arith.select %and3A_218, %add3A_219, %rem3A_210 : i32
    %dma_start3A_221 = arith.constant 0 : i32
    %dma_start3A_222 = arith.constant 0 : i32
    %dma_start3A_223 = tpu.memref_slice %arg8[%select_n3A_220, %dma_start3A_221, %dma_start3A_222] : memref<4x80x128xf32, #tpu.memory_space<vmem>> -> memref<1x80x128xf32, #tpu.memory_space<vmem>>
    %dma_start3A_224 = tpu.memref_squeeze %dma_start3A_223 : memref<1x80x128xf32, #tpu.memory_space<vmem>> -> memref<80x128xf32, #tpu.memory_space<vmem>>
    %dma_start3A_225 = arith.constant 0 : i32
    %dma_start3A_226 = tpu.memref_slice %arg7[%select_n3A_220, %dma_start3A_225] : memref<4x80xi32, #tpu.memory_space<vmem>> -> memref<1x80xi32, #tpu.memory_space<vmem>>
    %dma_start3A_227 = tpu.memref_squeeze %dma_start3A_226 : memref<1x80xi32, #tpu.memory_space<vmem>> -> memref<80xi32, #tpu.memory_space<vmem>>
    %dma_start3A_228 = arith.constant 0 : i32
    %dma_start3A_229 = arith.constant 0 : i32
    %dma_start3A_230 = tpu.memref_slice %arg9[%dma_start3A_228, %dma_start3A_229] : memref<10112x128xf32, #tpu.memory_space<vmem_shared>> -> memref<10112x128xf32, #tpu.memory_space<vmem_shared>>
    tpu.enqueue_indirect_dma source(%dma_start3A_224 : memref<80x128xf32, #tpu.memory_space<vmem>>) target(%dma_start3A_230 : memref<10112x128xf32, #tpu.memory_space<vmem_shared>>) offsets(%dma_start3A_227 : memref<80xi32, #tpu.memory_space<vmem>>) semaphore(%arg13 : memref<!tpu.dma_semaphore, #tpu.memory_space<semaphore_mem>>) {add = true}
    %sub3A_231 = arith.constant 2 : i32
    %sub3A_232 = arith.subi %add3A_35, %sub3A_231 : i32
    %jit3A_233 = arith.constant 4 : i32
    %eq3A_234 = arith.constant 0 : i32
    %eq3A_235 = arith.cmpi eq, %jit3A_233, %eq3A_234 : i32
    %jit3A_236 = arith.constant 1 : i32
    %select_n3A_237 = arith.select %eq3A_235, %jit3A_236, %jit3A_233 : i32
    %rem3A_238 = arith.remsi %sub3A_232, %select_n3A_237 : i32
    %ne3A_239 = arith.constant 0 : i32
    %ne3A_240 = arith.cmpi ne, %rem3A_238, %ne3A_239 : i32
    %lt3A_241 = arith.constant 0 : i32
    %lt3A_242 = arith.cmpi slt, %rem3A_238, %lt3A_241 : i32
    %lt3A_243 = arith.constant 0 : i32
    %lt3A_244 = arith.cmpi slt, %select_n3A_237, %lt3A_243 : i32
    %ne3A_245 = arith.xori %lt3A_242, %lt3A_244 : i1
    %and3A_246 = arith.andi %ne3A_245, %ne3A_240 : i1
    %add3A_247 = arith.addi %rem3A_238, %select_n3A_237 : i32
    %select_n3A_248 = arith.select %and3A_246, %add3A_247, %rem3A_238 : i32
    %dma_wait3A_249 = arith.constant 0 : i32
    %dma_wait3A_250 = arith.constant 0 : i32
    %dma_wait3A_251 = tpu.memref_slice %arg8[%select_n3A_248, %dma_wait3A_249, %dma_wait3A_250] : memref<4x80x128xf32, #tpu.memory_space<vmem>> -> memref<1x80x128xf32, #tpu.memory_space<vmem>>
    %dma_wait3A_252 = tpu.memref_squeeze %dma_wait3A_251 : memref<1x80x128xf32, #tpu.memory_space<vmem>> -> memref<80x128xf32, #tpu.memory_space<vmem>>
    %dma_wait3A_253 = arith.constant 0 : i32
    %dma_wait3A_254 = tpu.memref_slice %arg7[%select_n3A_248, %dma_wait3A_253] : memref<4x80xi32, #tpu.memory_space<vmem>> -> memref<1x80xi32, #tpu.memory_space<vmem>>
    %dma_wait3A_255 = tpu.memref_squeeze %dma_wait3A_254 : memref<1x80xi32, #tpu.memory_space<vmem>> -> memref<80xi32, #tpu.memory_space<vmem>>
    %dma_wait3A_256 = arith.constant 0 : i32
    %dma_wait3A_257 = arith.constant 0 : i32
    %dma_wait3A_258 = tpu.memref_slice %arg9[%dma_wait3A_256, %dma_wait3A_257] : memref<10112x128xf32, #tpu.memory_space<vmem_shared>> -> memref<10112x128xf32, #tpu.memory_space<vmem_shared>>
    tpu.wait_indirect_dma semaphore(%arg13 : memref<!tpu.dma_semaphore, #tpu.memory_space<semaphore_mem>>) src(%dma_wait3A_252 : memref<80x128xf32, #tpu.memory_space<vmem>>) dst(%dma_wait3A_258 : memref<10112x128xf32, #tpu.memory_space<vmem_shared>>)
    %sub3A_259 = arith.constant 1 : i32
    %sub3A_260 = arith.subi %add3A_35, %sub3A_259 : i32
    %jit3A_261 = arith.constant 4 : i32
    %eq3A_262 = arith.constant 0 : i32
    %eq3A_263 = arith.cmpi eq, %jit3A_261, %eq3A_262 : i32
    %jit3A_264 = arith.constant 1 : i32
    %select_n3A_265 = arith.select %eq3A_263, %jit3A_264, %jit3A_261 : i32
    %rem3A_266 = arith.remsi %sub3A_260, %select_n3A_265 : i32
    %ne3A_267 = arith.constant 0 : i32
    %ne3A_268 = arith.cmpi ne, %rem3A_266, %ne3A_267 : i32
    %lt3A_269 = arith.constant 0 : i32
    %lt3A_270 = arith.cmpi slt, %rem3A_266, %lt3A_269 : i32
    %lt3A_271 = arith.constant 0 : i32
    %lt3A_272 = arith.cmpi slt, %select_n3A_265, %lt3A_271 : i32
    %ne3A_273 = arith.xori %lt3A_270, %lt3A_272 : i1
    %and3A_274 = arith.andi %ne3A_273, %ne3A_268 : i1
    %add3A_275 = arith.addi %rem3A_266, %select_n3A_265 : i32
    %select_n3A_276 = arith.select %and3A_274, %add3A_275, %rem3A_266 : i32
    %dma_wait3A_277 = arith.constant 0 : i32
    %dma_wait3A_278 = arith.constant 0 : i32
    %dma_wait3A_279 = tpu.memref_slice %arg8[%select_n3A_276, %dma_wait3A_277, %dma_wait3A_278] : memref<4x80x128xf32, #tpu.memory_space<vmem>> -> memref<1x80x128xf32, #tpu.memory_space<vmem>>
    %dma_wait3A_280 = tpu.memref_squeeze %dma_wait3A_279 : memref<1x80x128xf32, #tpu.memory_space<vmem>> -> memref<80x128xf32, #tpu.memory_space<vmem>>
    %dma_wait3A_281 = arith.constant 0 : i32
    %dma_wait3A_282 = tpu.memref_slice %arg7[%select_n3A_276, %dma_wait3A_281] : memref<4x80xi32, #tpu.memory_space<vmem>> -> memref<1x80xi32, #tpu.memory_space<vmem>>
    %dma_wait3A_283 = tpu.memref_squeeze %dma_wait3A_282 : memref<1x80xi32, #tpu.memory_space<vmem>> -> memref<80xi32, #tpu.memory_space<vmem>>
    %dma_wait3A_284 = arith.constant 0 : i32
    %dma_wait3A_285 = arith.constant 0 : i32
    %dma_wait3A_286 = tpu.memref_slice %arg9[%dma_wait3A_284, %dma_wait3A_285] : memref<10112x128xf32, #tpu.memory_space<vmem_shared>> -> memref<10112x128xf32, #tpu.memory_space<vmem_shared>>
    tpu.wait_indirect_dma semaphore(%arg13 : memref<!tpu.dma_semaphore, #tpu.memory_space<semaphore_mem>>) src(%dma_wait3A_280 : memref<80x128xf32, #tpu.memory_space<vmem>>) dst(%dma_wait3A_286 : memref<10112x128xf32, #tpu.memory_space<vmem_shared>>)
    %barrier3A_287 = arith.constant 0 : index
    tpu.barrier barrier_id(%barrier3A_287)
    %mul3A_288 = arith.constant 632 : i32
    %mul3A_289 = arith.muli %arg1, %mul3A_288 : i32
    %mul3A_290 = arith.constant 632 : i32
    %mul3A_291 = arith.muli %arg1, %mul3A_290 : i32
    "tpu.region"() ({
      %run_scoped3A_292 = tpu.sem_alloc : memref<!tpu.dma_semaphore, #tpu.memory_space<semaphore_mem>>
      %dma_start3A_293 = arith.constant 0 : i32
      %dma_start3A_294 = tpu.memref_slice %arg5[%arg0, %mul3A_291, %dma_start3A_293] : memref<2x10112x128xf32, #tpu.memory_space<hbm>> -> memref<1x632x128xf32, #tpu.memory_space<hbm>>
      %dma_start3A_295 = tpu.memref_squeeze %dma_start3A_294 : memref<1x632x128xf32, #tpu.memory_space<hbm>> -> memref<632x128xf32, #tpu.memory_space<hbm>>
      %dma_start3A_296 = arith.constant 0 : i32
      %dma_start3A_297 = tpu.memref_slice %arg9[%mul3A_289, %dma_start3A_296] : memref<10112x128xf32, #tpu.memory_space<vmem_shared>> -> memref<632x128xf32, #tpu.memory_space<vmem_shared>>
      tpu.enqueue_dma source(%dma_start3A_297 : memref<632x128xf32, #tpu.memory_space<vmem_shared>>) target(%dma_start3A_295 : memref<632x128xf32, #tpu.memory_space<hbm>>) target_semaphore(%run_scoped3A_292 : memref<!tpu.dma_semaphore, #tpu.memory_space<semaphore_mem>>)
      %dma_wait3A_298 = arith.constant 0 : i32
      %dma_wait3A_299 = tpu.memref_slice %arg5[%arg0, %mul3A_291, %dma_wait3A_298] : memref<2x10112x128xf32, #tpu.memory_space<hbm>> -> memref<1x632x128xf32, #tpu.memory_space<hbm>>
      %dma_wait3A_300 = tpu.memref_squeeze %dma_wait3A_299 : memref<1x632x128xf32, #tpu.memory_space<hbm>> -> memref<632x128xf32, #tpu.memory_space<hbm>>
      %dma_wait3A_301 = arith.constant 0 : i32
      %dma_wait3A_302 = tpu.memref_slice %arg9[%mul3A_289, %dma_wait3A_301] : memref<10112x128xf32, #tpu.memory_space<vmem_shared>> -> memref<632x128xf32, #tpu.memory_space<vmem_shared>>
      tpu.wait_dma2 semaphore(%run_scoped3A_292 : memref<!tpu.dma_semaphore, #tpu.memory_space<semaphore_mem>>) src(%dma_wait3A_302 : memref<632x128xf32, #tpu.memory_space<vmem_shared>>) dst(%dma_wait3A_300 : memref<632x128xf32, #tpu.memory_space<hbm>>)
      tpu.yield
    }) : () -> ()
    return
  }
}

module attributes {stable_mosaic.version = 14 : i64} {
  func.func @_tc_mlp_body(%arg0: i32, %arg1: memref<512x128xf32, #tpu.memory_space<vmem>>, %arg2: memref<2x512x128xf32, #tpu.memory_space<vmem>>, %arg3: memref<128x256xf32, #tpu.memory_space<vmem>>, %arg4: memref<1x256xf32, #tpu.memory_space<vmem>>, %arg5: memref<256x128xf32, #tpu.memory_space<vmem>>, %arg6: memref<1x128xf32, #tpu.memory_space<vmem>>, %arg7: memref<1xf32, #tpu.memory_space<smem>>, %arg8: memref<512x128xf32, #tpu.memory_space<vmem>>) attributes {dimension_semantics = [#tpu.dimension_semantics<arbitrary>], iteration_bounds = array<i64: 20>, scalar_prefetch = 0 : i64, scratch_operands = 0 : i64, tpu.core_type = #tpu.core_type<tc>, window_params = [{transform_indices = @transform_0, window_bounds = array<i64: 512, 128>}, {transform_indices = @transform_1, window_bounds = array<i64: 2, 512, 128>}, {pipeline_mode = #tpu.pipeline_mode<synchronous>, transform_indices = @transform_2, window_bounds = array<i64: 128, 256>}, {pipeline_mode = #tpu.pipeline_mode<synchronous>, transform_indices = @transform_3, window_bounds = array<i64: 1, 256>}, {pipeline_mode = #tpu.pipeline_mode<synchronous>, transform_indices = @transform_4, window_bounds = array<i64: 256, 128>}, {pipeline_mode = #tpu.pipeline_mode<synchronous>, transform_indices = @transform_5, window_bounds = array<i64: 1, 128>}, {transform_indices = @transform_6, window_bounds = array<i64: 1>}, {transform_indices = @transform_7, window_bounds = array<i64: 512, 128>}]} {
    %get3A = arith.constant 0 : index
    %get3A_0 = arith.constant 0 : index
    %get3A_1 = arith.constant 0 : index
    %get3A_2 = vector.load %arg2[%get3A, %get3A_0, %get3A_1] : memref<2x512x128xf32, #tpu.memory_space<vmem>>, vector<1x512x128xf32>
    %get3A_3 = vector.shape_cast %get3A_2 : vector<1x512x128xf32> to vector<512x128xf32>
    %get3A_4 = arith.constant 1 : index
    %get3A_5 = arith.constant 0 : index
    %get3A_6 = arith.constant 0 : index
    %get3A_7 = vector.load %arg2[%get3A_4, %get3A_5, %get3A_6] : memref<2x512x128xf32, #tpu.memory_space<vmem>>, vector<1x512x128xf32>
    %get3A_8 = vector.shape_cast %get3A_7 : vector<1x512x128xf32> to vector<512x128xf32>
    %add3A = arith.addf %get3A_3, %get3A_8 : vector<512x128xf32>
    %get3A_9 = arith.constant 0 : index
    %get3A_10 = arith.constant 0 : index
    %get3A_11 = vector.load %arg3[%get3A_9, %get3A_10] : memref<128x256xf32, #tpu.memory_space<vmem>>, vector<128x256xf32>
    %dot_general3A = arith.constant dense<0.000000e+00> : vector<512x256xf32>
    %dot_general3A_12 = tpu.matmul %add3A, %get3A_11, %dot_general3A {dimension_numbers = #tpu.dot_dimension_numbers<[1], [0], [0], [1], [0, 0, 1, 1], [], []>, transpose_lhs_hint = false} : vector<512x128xf32>, vector<128x256xf32>, vector<512x256xf32> -> vector<512x256xf32>
    %get3A_13 = arith.constant 0 : index
    %get3A_14 = arith.constant 0 : index
    %get3A_15 = vector.load %arg4[%get3A_13, %get3A_14] : memref<1x256xf32, #tpu.memory_space<vmem>>, vector<1x256xf32>
    %add3A_16 = vector.broadcast %get3A_15 : vector<1x256xf32> to vector<512x256xf32>
    %add3A_17 = arith.addf %dot_general3A_12, %add3A_16 : vector<512x256xf32>
    %max3A = arith.constant 0.000000e+00 : f32
    %max3A_18 = vector.broadcast %max3A : f32 to vector<512x256xf32>
    %max3A_19 = arith.maximumf %add3A_17, %max3A_18 : vector<512x256xf32>
    %get3A_20 = arith.constant 0 : index
    %get3A_21 = arith.constant 0 : index
    %get3A_22 = vector.load %arg5[%get3A_20, %get3A_21] : memref<256x128xf32, #tpu.memory_space<vmem>>, vector<256x128xf32>
    %dot_general3A_23 = arith.constant dense<0.000000e+00> : vector<512x128xf32>
    %dot_general3A_24 = tpu.matmul %max3A_19, %get3A_22, %dot_general3A_23 {dimension_numbers = #tpu.dot_dimension_numbers<[1], [0], [0], [1], [0, 0, 1, 1], [], []>, transpose_lhs_hint = false} : vector<512x256xf32>, vector<256x128xf32>, vector<512x128xf32> -> vector<512x128xf32>
    %get3A_25 = arith.constant 0 : index
    %get3A_26 = memref.load %arg7[%get3A_25] : memref<1xf32, #tpu.memory_space<smem>>
    %add3A_27 = arith.constant 1.000000e+00 : f32
    %add3A_28 = arith.addf %add3A_27, %get3A_26 : f32
    %get3A_29 = arith.constant 0 : index
    %get3A_30 = arith.constant 0 : index
    %get3A_31 = vector.load %arg1[%get3A_29, %get3A_30] : memref<512x128xf32, #tpu.memory_space<vmem>>, vector<512x128xf32>
    %mul3A = vector.broadcast %add3A_28 : f32 to vector<512x128xf32>
    %mul3A_32 = arith.mulf %mul3A, %get3A_31 : vector<512x128xf32>
    %add3A_33 = arith.addf %mul3A_32, %dot_general3A_24 : vector<512x128xf32>
    %get3A_34 = arith.constant 0 : index
    %get3A_35 = arith.constant 0 : index
    %get3A_36 = vector.load %arg6[%get3A_34, %get3A_35] : memref<1x128xf32, #tpu.memory_space<vmem>>, vector<1x128xf32>
    %add3A_37 = vector.broadcast %get3A_36 : vector<1x128xf32> to vector<512x128xf32>
    %add3A_38 = arith.addf %add3A_33, %add3A_37 : vector<512x128xf32>
    %swap3A = arith.constant 0 : index
    %swap3A_39 = arith.constant 0 : index
    %swap3A_40 = vector.load %arg8[%swap3A, %swap3A_39] : memref<512x128xf32, #tpu.memory_space<vmem>>, vector<512x128xf32>
    tpu.vector_store %arg8[%swap3A, %swap3A_39], %add3A_38 {strides = array<i32>} : memref<512x128xf32, #tpu.memory_space<vmem>>, vector<512x128xf32>,
    return
  }
  func.func @transform_0(%arg0: i32) -> (i32, i32) {
    %c0_i32 = arith.constant 0 : i32
    %c0_i32_0 = arith.constant 0 : i32
    return %arg0, %c0_i32 : i32, i32
  }
  func.func @transform_1(%arg0: i32) -> (i32, i32, i32) {
    %c0_i32 = arith.constant 0 : i32
    %c0_i32_0 = arith.constant 0 : i32
    %c0_i32_1 = arith.constant 0 : i32
    return %c0_i32, %arg0, %c0_i32_0 : i32, i32, i32
  }
  func.func @transform_2(%arg0: i32) -> (i32, i32) {
    %c0_i32 = arith.constant 0 : i32
    %c0_i32_0 = arith.constant 0 : i32
    %c0_i32_1 = arith.constant 0 : i32
    return %c0_i32, %c0_i32_0 : i32, i32
  }
  func.func @transform_3(%arg0: i32) -> (i32, i32) {
    %c0_i32 = arith.constant 0 : i32
    %c0_i32_0 = arith.constant 0 : i32
    %c0_i32_1 = arith.constant 0 : i32
    return %c0_i32, %c0_i32_0 : i32, i32
  }
  func.func @transform_4(%arg0: i32) -> (i32, i32) {
    %c0_i32 = arith.constant 0 : i32
    %c0_i32_0 = arith.constant 0 : i32
    %c0_i32_1 = arith.constant 0 : i32
    return %c0_i32, %c0_i32_0 : i32, i32
  }
  func.func @transform_5(%arg0: i32) -> (i32, i32) {
    %c0_i32 = arith.constant 0 : i32
    %c0_i32_0 = arith.constant 0 : i32
    %c0_i32_1 = arith.constant 0 : i32
    return %c0_i32, %c0_i32_0 : i32, i32
  }
  func.func @transform_6(%arg0: i32) -> i32 {
    %c0_i32 = arith.constant 0 : i32
    %c0_i32_0 = arith.constant 0 : i32
    return %c0_i32 : i32
  }
  func.func @transform_7(%arg0: i32) -> (i32, i32) {
    %c0_i32 = arith.constant 0 : i32
    %c0_i32_0 = arith.constant 0 : i32
    return %arg0, %c0_i32 : i32, i32
  }
}

</mosaic_0001>

<sc_bundles>
// kernel: kernel.4.cloned.1.call-start
scs
__scs_entry_jumppad:
0x0: {  	(pc) =	sbr.rel $0x88, $3  }
0x1: {  	(tag) =	ssettag $0x0;
	lr =	simm.s32 $0x1  }
0x2: {  	[smem:$0x3F99] =	sst lr;
	_ =	strace $0xD0000000  }
0x3: {  	_ = 	snop  }
0x4: {  	_ = 	snop  }
0x5: {  	_ = 	snop  }
0x6: {  	_ = 	snop  }
0x7: {  	_ = 	snop  }
__scs_overlays_trampoline_lowered:
0x8: {  	[smem:$0x3FA8] =	sst s0  }
0x9: {  	[smem:$0x3FA9] =	sst s1  }
0xa: {  	[smem:$0x3FAA] =	sst s2  }
0xb: {  	[smem:$0x3FAB] =	sst s3  }
0xc: {  	[smem:$0x3FAC] =	sst s4  }
0xd: {  	[smem:$0x3FAD] =	sst s5  }
0xe: {  	[smem:$0x3FAE] =	sst s6  }
0xf: {  	[smem:$0x3FAF] =	sst s7  }
0x10: {  	[smem:$0x3FB0] =	sst s8  }
0x11: {  	[smem:$0x3FB1] =	sst s9;
	s0 =	simm.s32 @!p0 $0x0  }
0x12: {  	s1 =	sld [smem:$0x3F97];
	s0 =	simm.s32 @p0 $0x1  }
0x13: {  	[smem:$0x3FB2] =	sst s0;
	s0 =	simm.s32 @!p1 $0x0  }
0x14: {  	s2 =	sld [smem:$0x3F96];
	s0 =	simm.s32 @p1 $0x1  }
0x15: {  	[smem:$0x3FB3] =	sst s0;
	s0 =	simm.s32 @!p2 $0x0  }
0x16: {  	s3 =	sld [smem:$0x3FDB];
	s0 =	simm.s32 @p2 $0x1  }
0x17: {  	s4 =	simm.s32 $0x1BF5;
	[smem:$0x3FB5] =	sst s0  }
0x18: {  	s0 =	sld [smem:$0x3F98];
	_ =	swait.ge [sflag:s4], $0x0  }
0x19: {  	s7 =	sld [smem:$0x3F99]  }
0x1a: {  	s8 =	sadd.s32 $0xFFFFE003, lr  }
0x1b: {  	s9 =	sadd.s32 $0xFFFFFEF7, lr;
	s5 =	simm.s32 $0xFFFFFFFF;
	p2 =	slt.u32 s8, $0xFFFFF086  }
0x1c: {  	p1 =	slt.u32 s9, $0xF7A;
	s5 =	simm.s32 @!p2 $0x0  }
0x1d: {  	s5 =	simm.s32 @p1 $0x1;
	p0 =	seq.s32 s7, s2  }
0x1e: {  	s7 =	smul.u32 @!p0 $0xF7A, s2;
	p2 =	seq.s32 @!p0 s5, $0x0  }
0x1f: {  	s9 =	smul.u32 $0xF7A, s1;
	s8 =	simm.s32 @!p0 $0x1BF5;
	p2 =	por !p2, p0  }
0x20: {  	[sflag:s8] =	ssyncset.s32 @!p0 $0xFFFFF086;
	s6 =	sadd.s32 @!p0 s3, s7;
	s7 =	simm.s32 @!p0 $0x108  }
0x21: {  	s3 =	sadd.s32 s3, s9;
	s6 =	sadd.s32 @!p0 $0x88, s6;
	s7 =	simm.s32 @p2 $0x1082  }
0x22: {  	[simem:s7], [sflag:s8] =	dma.local @!p0 [hbm:s6], $0xF7A  }
0x23: {  	s9 =	sor.u32 $0xD0000000, s2;
	s6 =	simm.s32 $0x108;
	_ =	swait.ge @!p0 [sflag:s8], $0x0  }
0x24: {  	s3 =	sadd.s32 $0x88, s3;
	s6 =	simm.s32 @!p1 $0x1082;
	[sflag:s4] =	ssyncset.s32 $0xFFFFF086  }
0x25: {  	[simem:s6], [sflag:s4] =	dma.local [hbm:s3], $0xF7A  }
0x26: {  	[smem:$0x3F99] =	sst s1;
	(tag) =	ssettag s2;
	_ =	strace s9  }
0x27: {  	s1 =	sld [smem:$0x3FA9]  }
0x28: {  	s2 =	sld [smem:$0x3FAA]  }
0x29: {  	s4 =	sld [smem:$0x3FAC]  }
0x2a: {  	p0 =	seq.s32 s5, $0x0;
	s5 =	sld [smem:$0x3FAD]  }
0x2b: {  	s6 =	sld [smem:$0x3FAE]  }
0x2c: {  	s7 =	sld [smem:$0x3FAF]  }
0x2d: {  	s3 =	simm.s32 $0x108;
	s8 =	sld [smem:$0x3FB0]  }
0x2e: {  	s3 =	simm.s32 @!p0 $0x1082;
	s9 =	sld [smem:$0x3FB1]  }
0x2f: {  	lr =	sadd.s32 s0, s3;
	s0 =	sld [smem:$0x3FA8]  }
0x30: {  	s3 =	sld [smem:$0x3FAB]  }
0x31: {  	[smem:$0x3FB4] =	sst s10  }
0x32: {  	s10 =	sld [smem:$0x3FB2];
	_ =	sdelay $0x3  }
0x33: {  	p0 =	seq.s32 s10, $0x1;
	s10 =	sld [smem:$0x3FB4];
	_ =	sdelay $0x3  }
0x34: {  	[smem:$0x3FB4] =	sst s10  }
0x35: {  	s10 =	sld [smem:$0x3FB3];
	_ =	sdelay $0x3  }
0x36: {  	p1 =	seq.s32 s10, $0x1;
	s10 =	sld [smem:$0x3FB4];
	_ =	sdelay $0x3  }
0x37: {  	[smem:$0x3FB4] =	sst s10  }
0x38: {  	s10 =	sld [smem:$0x3FB5]  }
0x39: {  	_ = 	snop;
	(pc) =	sbr.ind lr, $3  }
0x3a: {  	_ = 	snop  }
0x3b: {  	_ = 	snop  }
0x3c: {  	p2 =	seq.s32 s10, $0x1;
	s10 =	sld [smem:$0x3FB4]  }
0x3d: {  	_ =	shalt  }
0x3e: {  	_ =	shalt  }
0x3f: {  	_ =	shalt  }
0x40: {  	_ =	shalt  }
0x41: {  	_ =	shalt  }
0x42: {  	_ =	shalt  }
0x43: {  	_ =	shalt  }
0x44: {  	_ =	shalt  }
0x45: {  	_ =	shalt  }
0x46: {  	_ =	shalt  }
0x47: {  	_ =	shalt  }
0x48: {  	_ =	shalt  }
0x49: {  	_ =	shalt  }
0x4a: {  	_ =	shalt  }
0x4b: {  	_ =	shalt  }
0x4c: {  	_ =	shalt  }
0x4d: {  	_ =	shalt  }
0x4e: {  	_ =	shalt  }
0x4f: {  	_ =	shalt  }
0x50: {  	_ =	shalt  }
0x51: {  	_ =	shalt  }
0x52: {  	_ =	shalt  }
0x53: {  	_ =	shalt  }
0x54: {  	_ =	shalt  }
0x55: {  	_ =	shalt  }
0x56: {  	_ =	shalt  }
0x57: {  	_ =	shalt  }
0x58: {  	_ =	shalt  }
0x59: {  	_ =	shalt  }
0x5a: {  	_ =	shalt  }
0x5b: {  	_ =	shalt  }
0x5c: {  	_ =	shalt  }
0x5d: {  	_ =	shalt  }
0x5e: {  	_ =	shalt  }
0x5f: {  	_ =	shalt  }
0x60: {  	_ =	shalt  }
0x61: {  	_ =	shalt  }
0x62: {  	_ =	shalt  }
0x63: {  	_ =	shalt  }
0x64: {  	_ =	shalt  }
0x65: {  	_ =	shalt  }
0x66: {  	_ =	shalt  }
0x67: {  	_ =	shalt  }
0x68: {  	_ =	shalt  }
0x69: {  	_ =	shalt  }
0x6a: {  	_ =	shalt  }
0x6b: {  	_ =	shalt  }
0x6c: {  	_ =	shalt  }
0x6d: {  	_ =	shalt  }
0x6e: {  	_ =	shalt  }
0x6f: {  	_ =	shalt  }
0x70: {  	_ =	shalt  }
0x71: {  	_ =	shalt  }
0x72: {  	_ =	shalt  }
0x73: {  	_ =	shalt  }
0x74: {  	_ =	shalt  }
0x75: {  	_ =	shalt  }
0x76: {  	_ =	shalt  }
0x77: {  	_ =	shalt  }
0x78: {  	_ =	shalt  }
0x79: {  	_ =	shalt  }
0x7a: {  	_ =	shalt  }
0x7b: {  	_ =	shalt  }
0x7c: {  	_ =	shalt  }
0x7d: {  	_ =	shalt  }
0x7e: {  	_ =	shalt  }
0x7f: {  	_ =	shalt  }
0x80: {  	_ =	shalt  }
0x81: {  	_ =	shalt  }
0x82: {  	_ =	shalt  }
0x83: {  	_ =	shalt  }
0x84: {  	_ =	shalt  }
0x85: {  	_ =	shalt  }
0x86: {  	_ =	shalt  }
0x87: {  	_ =	shalt  }
.Lfunc_end0:
.L_simem_size_0:
called_computation_lowered:
.L_overlay_start_0:
0x88: {  	s2 =	sld [smem:$0x3FD9]  }
0x89: {  	s3 =	sld [smem:$0x3FFE];
	_ =	sdelay $0x1  }
0x8a: {  	s1 =	srdreg.scid  }
0x8b: {  	s0 =	sand.u32 $0x1, s1  }
0x8c: {  	s17 =	sshll.u32 s0, $0xA;
	s2 =	sadd.s32 s3, s2  }
0x8d: {  	s2 =	sadd.s32 s2, s17  }
0x8e: {  	[smem:$0x3FC0] =	sst s2  }
0x8f: {  	_ = 	snop  }
0x90: {  	s2 =	sld [smem:$0x3FC9]  }
0x91: {  	s18 =	sld [smem:$0x3FC7]  }
0x92: {  	s4 =	sld [smem:$0x3FD0];
	(tm) =	ssettm $0x1  }
0x93: {  	s5 =	sld [smem:$0x3FFB];
	_ =	sdelay $0x3  }
0x94: {  	_ =	strace s5  }
0x95: {  	s5 =	sld [smem:$0x3FFC];
	_ =	sdelay $0x3  }
0x96: {  	_ =	strace s5  }
0x97: {  	s5 =	sld [smem:$0x3FFD];
	_ =	sdelay $0x3  }
0x98: {  	_ =	strace s5  }
0x99: {  	_ =	strace $0x8FFFFFFF  }
0x9a: {  	s19 =	sld [smem:$0x3FDB];
	_ =	sdelay $0x1  }
0x9b: {  	s6 =	simm.s32 $_scs_section_size  }
0x9c: {  	s7 =	simm.s32 $_size__tile_overlayer_lowered;
	s8 =	simm.s32 $_tile_overlayer_lowered  }
0x9d: {  	s22 =	simm.s32 $0x1BFF;
	s21 =	sshll.u32 s8, $0x1;
	s5 =	sadd.s32 s6, s19  }
0x9e: {  	s9 =	simm.s32 $0x0;
	s20 =	sshll.u32 s7, $0x1;
	s7 =	sadd.s32 s21, s5  }
0x9f: {  	[timem:s9], [sflag:s22] =	dma.local [hbm:s7], s20  }
0xa0: {  	_ =	swait.ge [sflag:s22], s20  }
0xa1: {  	s6 =	ssub.s32 $0x0, s20;
	[sflag:s22] =	ssyncset.done $0x0  }
0xa2: {  	[sflag:s22] =	ssyncadd.s32 s6;
	_ =	sdelay $0x1  }
0xa3: {  	s23 =	simm.s32 $0x1B8B  }
0xa4: {  	_ =	swait.ge [sflag:s23], $0x1  }
0xa5: {  	[sflag:s23] =	ssyncset.done $0x0  }
0xa6: {  	s25 =	simm.s32 $0x1B8E;
	s24 =	sld [smem:$0x3FFE];
	[sflag:s23] =	ssyncadd.s32 $0xFFFFFFFF  }
0xa7: {  	s26 =	simm.s32 $execute0_lowered;
	[smem:$0x3FD2] =	sst s25  }
0xa8: {  	s7 =	sshll.u32 s26, $0x1;
	_ =	strace $0x80000046;
	[dreg:$0x1] =	wrdreg $0xFFFFFFFF  }
0xa9: {  	s28 =	simm.s32 $_size_execute0_lowered;
	s5 =	sadd.s32 s5, s7;
	[dreg:$0x0] =	wrdreg $0x0  }
0xaa: {  	s7 =	sshll.u32 s28, $0x1;
	[dreg:$0x2] =	wrdreg s5  }
0xab: {  	[dreg:$0x3] =	wrdreg s7  }
0xac: {  	[dreg:$0x4] =	wrdreg $0xC0  }
0xad: {  	_ =	task [dreg:s9], $0x5FFFF  }
0xae: {  	[dreg:$0x1] =	wrdreg $0xFFFFFFFF  }
0xaf: {  	[dreg:$0x0] =	wrdreg $0x60  }
0xb0: {  	[dreg:$0x2] =	wrdreg s2  }
0xb1: {  	[dreg:$0x3] =	wrdreg s4  }
0xb2: {  	[dreg:$0x4] =	wrdreg s18  }
0xb3: {  	[dreg:$0x5] =	wrdreg s24  }
0xb4: {  	[dreg:$0x6] =	wrdreg $0xA4000  }
0xb5: {  	[dreg:$0x7] =	wrdreg $0x9  }
0xb6: {  	_ =	task.clear_ibuf [dreg:s9], $0x8FFFF;
	_ =	strace $0x90000046  }
0xb7: {  	s29 =	simm.s32 $0x9;
	_ =	strace $0x80000048  }
0xb8: {  	_ =	swait.ge [sflag:s29], $0x1  }
0xb9: {  	[sflag:s29] =	ssyncadd.s32 $0xFFFFFFFF  }
0xba: {  	_ =	strace $0x90000048  }
0xbb: {  	_ =	sfence  }
0xbc: {  	s30 =	sld [smem:$0x0];
	_ =	sdelay $0x2  }
0xbd: {  	s31 =	sshll.u32 s1, $0xD;
	s1 =	sshrl.u32 s1, $0x2  }
0xbe: {  	s3 =	sand.u32 $0x4000, s31;
	s1 =	sadd.s32 s1, s30  }
0xbf: {  	s0 =	sor.u32 s3, s0;
	s1 =	sshll.u32 s1, $0x11  }
0xc0: {  	s0 =	sor.u32 s1, s0  }
0xc1: {  	s0 =	sadd.s32 $0x8F2B, s0  }
0xc2: {  	[sflag:s0] =	ssyncadd.remote.s32 $0x1  }
0xc3: {  	_ =	sfence.sel $0xFFFF  }
0xc4: {  	[dreg:$0x0] =	wrdreg $0xFFFFFFFF;
	(pc) =	sbr.abs _section_cstart, $3  }
0xc5: {  	[dreg:$0x1] =	wrdreg $0xFFFFFFFF  }
0xc6: {  	_ =	task.clear_ibuf [dreg:s9], $0x2FFFF;
	_ =	strace $0x9FFFFFFF  }
0xc7: {  	(tm) =	ssettm $0x7FFFFFFF  }
tec
execute0_lowered:
.L_overlay_start_1:
0x0: {  	(tag) =	ssettag $0x1  }
0x1: {  	s0 =	rddreg [dreg:$0x0]  }
0x2: {  	s1 =	rddreg [dreg:$0x2]  }
0x3: {  	s5 =	rddreg [dreg:$0x3];
	s19 =	stileid.u32  }
0x4: {  	s2 =	rddreg [dreg:$0x4];
	s8 =	smul.u32 $0x13C00, s19  }
0x5: {  	s3 =	srdreg.scid;
	s20 =	smul.u32 $0x4F000, s19  }
0x6: {  	[dreg:$0x7] =	wrdreg s0;
	s6 =	sand.u32 $0x1, s3;
	s18 =	smul.u32 $0x7D, s19  }
0x7: {  	s0 =	rddreg [dreg:$0x1];
	s7 =	smul.u32 $0x13C000, s6;
	s4 =	sshll.u32 s6, $0x4  }
0x8: {  	s3 =	simm.s32 $0x0;
	s25 =	smul.u32 $0x7D0, s6;
	s9 =	sor.u32 s19, s4  }
0x9: {  	[smem:$0x7FF] =	sst s3;
	s12 =	ssub.s32 $0x2, s6;
	s4 =	smul.u32 $0x7D, s9  }
0xa: {  	_ =	strace $0x80000047;
	s21 =	sshrl.u32 s20, $0x2;
	s11 =	smul.u32 $0x2710, s9  }
0xb: {  	s14 =	sshrl.u32 s12, $0x1;
	s7 =	sadd.s32 s8, s7;
	s8 =	smul.u32 $0x27100, s9  }
0xc: {  	s12 =	ssub.s32 s12, s14;
	s7 =	sshrl.u32 s7, $0x3;
	s10 =	sand.u32 $0x3, s4  }
0xd: {  	s7 =	sadd.s32 s7, s5;
	s9 =	sadd.s32 $0x1, s4;
	s5 =	sadd.s32 s21, s2  }
0xe: {  	s26 =	sadd.s32 $0x2, s4;
	s21 =	smul.u32 $0x271000, s6;
	s8 =	sadd.s32 s1, s8  }
0xf: {  	s11 =	sshrl.u32 s11, $0x3;
	s28 =	sadd.s32 $0x7D, s4;
	s13 =	smul.u32 $0xA000, s10  }
0x10: {  	s15 =	smul.u32 $0x50, s9;
	s22 =	sadd.s32 $0x2800, s5;
	[dreg:$0x6] =	wrdreg s26  }
0x11: {  	s23 =	smul.u32 $0x500, s9;
	s16 =	sadd.s32 $0x5000, s5;
	[dreg:$0xd] =	wrdreg s8  }
0x12: {  	s24 =	sadd.s32 $0x7800, s5;
	s17 =	sadd.s32 $0xA000, s5;
	[dreg:$0x8] =	wrdreg s22  }
0x13: {  	s20 =	sadd.s32 $0xC800, s5;
	s8 =	sadd.s32 s18, s25;
	[dreg:$0x9] =	wrdreg s16  }
0x14: {  	s9 =	sand.u32 $0x3, s9;
	s26 =	smul.u32 $0x4E2, s19;
	[dreg:$0xa] =	wrdreg s24  }
0x15: {  	s18 =	sadd.s32 $0xF000, s5;
	[dreg:$0xb] =	wrdreg s17;
	s22 =	smul.u32 $0x27100, s19  }
0x16: {  	s10 =	sshll.u32 s10, $0x7;
	[dreg:$0xc] =	wrdreg s20;
	s24 =	smul.u32 $0x2710, s19  }
0x17: {  	s17 =	sadd.s32 s0, s11;
	s16 =	smul.u32 $0xA000, s9;
	[dreg:$0x10] =	wrdreg s18  }
0x18: {  	s9 =	sshll.u32 s9, $0x7;
	s14 =	sadd.s32 s1, s23;
	s23 =	smul.u32 $0x27100, s6  }
0x19: {  	s29 =	sor.u32 $0x200, s10;
	s1 =	sadd.s32 s21, s1;
	s6 =	smul.u32 $0x4E20, s6  }
0x1a: {  	s25 =	sshrl.u32 s15, $0x3;
	s19 =	sshrl.u32 s13, $0x2;
	s13 =	smov.u32 s17  }
0x1b: {  	s30 =	sadd.s32 $0x9C40, s17;
	s31 =	sor.u32 $0x200, s9;
	[dreg:$0xe] =	wrdreg s14  }
0x1c: {  	s1 =	sadd.s32 s22, s1;
	s20 =	sadd.s32 s0, s25;
	s18 =	sor.u32 $0x400, s19  }
0x1d: {  	s21 =	sshrl.u32 s16, $0x2;
	s22 =	sadd.s32 $0x1000, s7;
	s16 =	smov.u32 s10  }
0x1e: {  	s7 =	simm.s32 $0x2;
	s10 =	simm.s32 $0x1;
	s14 =	sadd.s32 s24, s23  }
0x1f: {  	s6 =	sadd.s32 s6, s0;
	[dreg:$0x12] =	wrdreg s22;
	s23 =	smax.u32 s12, $0x1  }
0x20: {  	s24 =	sadd.s32 $0x3, s8;
	s25 =	sadd.s32 $0xA00, s1;
	s19 =	smov.u32 s20  }
0x21: {  	s1 =	simm.s32 $0x400;
	s8 =	simm.s32 $0x3;
	[dreg:$0x13] =	wrdreg s23  }
0x22: {  	s12 =	simm.s32 $0x0;
	s14 =	sadd.s32 $0x4E2A0, s14;
	[dreg:$0x14] =	wrdreg s24  }
0x23: {  	s6 =	sadd.s32 s26, s6;
	[dreg:$0x15] =	wrdreg s25;
	s26 =	sadd.s32 $0x11800, s5  }
0x24: {  	s11 =	sshrl.u32 s14, $0x3;
	s14 =	sadd.s32 $0x14, s6;
	[dreg:$0x16] =	wrdreg s26  }
0x25: {  	s26 =	smov.u32 s9;
	s6 =	simm.s32 $0x5;
	s0 =	sadd.s32 s11, s0  }
0x26: {  	s9 =	simm.s32 $0x50;
	[dreg:$0xf] =	wrdreg s0;
	s0 =	sor.u32 $0x400, s21  }
0x27: {  	v0 =	vimm.f32 $0.0e+00;
	s11 =	simm.s32 $0x4;
	[dreg:$0x11] =	wrdreg s0;
	s0 =	sadd.s32 $0x9C40, s20  }
.LBB2_1:
0x28: {  	s15 =	simm.s32 $0x0;
	s23 =	simm.s32 $0x200  }
.LBB2_2:
0x29: {  	p0 =	sne.s32 s23, $0x9E00;
	[tilespmem:s15+$0x470] =	vst v0  }
0x2a: {  	[tilespmem:s15+$0x400] =	vst v0  }
0x2b: {  	[tilespmem:s15+$0x410] =	vst v0  }
.Ltmp0:
0x2c: {  	[tilespmem:s15+$0x420] =	vst v0;
	(pc) =	sbr.rel @p0 .LBB2_2-.Ltmp0, $4  }
0x2d: {  	[tilespmem:s15+$0x430] =	vst v0  }
0x2e: {  	[tilespmem:s15+$0x440] =	vst v0  }
0x2f: {  	[tilespmem:s15+$0x450] =	vst v0  }
0x30: {  	[tilespmem:s15+$0x460] =	vst v0;
	s15 =	sshra.s32 s23, $0x2;
	s23 =	sadd.s32 $0x200, s23  }
0x31: {  	[tilespmem:s15+$0x470] =	vst v0  }
0x32: {  	[tilespmem:s15+$0x400] =	vst v0  }
0x33: {  	[tilespmem:s15+$0x410] =	vst v0  }
0x34: {  	[tilespmem:s15+$0x420] =	vst v0  }
0x35: {  	[tilespmem:s15+$0x430] =	vst v0  }
0x36: {  	[tilespmem:s15+$0x440] =	vst v0  }
0x37: {  	[tilespmem:s15+$0x450] =	vst v0  }
0x38: {  	[tilespmem:s15+$0x460] =	vst v0  }
0x39: {  	[spmem:s5] =	stream.linear.scatter [tilespmem:s1], [sflag:$0x5], $0x2800, $0x38;
	[tilespmem:$0x1E000] =	vst v63  }
0x3a: {  	_ =	swait.ge [sflag:s6], $0x2800  }
0x3b: {  	[sflag:s6] =	ssyncset.done $0x0  }
0x3c: {  	s24 =	rddreg [dreg:$0x8];
	[sflag:s6] =	ssyncadd.s32 $0xFFFFD800  }
0x3d: {  	[spmem:s24] =	stream.linear.scatter [tilespmem:s1], [sflag:$0x5], $0x2800, $0x38;
	[tilespmem:$0x1E000] =	vst v63  }
0x3e: {  	_ =	swait.ge [sflag:s6], $0x2800  }
0x3f: {  	[sflag:s6] =	ssyncset.done $0x0  }
0x40: {  	s25 =	rddreg [dreg:$0x9];
	[sflag:s6] =	ssyncadd.s32 $0xFFFFD800  }
0x41: {  	[spmem:s25] =	stream.linear.scatter [tilespmem:s1], [sflag:$0x5], $0x2800, $0x38;
	[tilespmem:$0x1E000] =	vst v63  }
0x42: {  	_ =	swait.ge [sflag:s6], $0x2800  }
0x43: {  	[sflag:s6] =	ssyncset.done $0x0  }
0x44: {  	s17 =	rddreg [dreg:$0xa];
	[sflag:s6] =	ssyncadd.s32 $0xFFFFD800  }
0x45: {  	[spmem:s17] =	stream.linear.scatter [tilespmem:s1], [sflag:$0x5], $0x2800, $0x38;
	[tilespmem:$0x1E000] =	vst v63  }
0x46: {  	_ =	swait.ge [sflag:s6], $0x2800  }
0x47: {  	[sflag:s6] =	ssyncset.done $0x0  }
0x48: {  	s20 =	rddreg [dreg:$0xb];
	[sflag:s6] =	ssyncadd.s32 $0xFFFFD800  }
0x49: {  	[spmem:s20] =	stream.linear.scatter [tilespmem:s1], [sflag:$0x5], $0x2800, $0x38;
	[tilespmem:$0x1E000] =	vst v63  }
0x4a: {  	_ =	swait.ge [sflag:s6], $0x2800  }
0x4b: {  	[sflag:s6] =	ssyncset.done $0x0  }
0x4c: {  	s21 =	rddreg [dreg:$0xc];
	[sflag:s6] =	ssyncadd.s32 $0xFFFFD800  }
0x4d: {  	[spmem:s21] =	stream.linear.scatter [tilespmem:s1], [sflag:$0x5], $0x2800, $0x38;
	[tilespmem:$0x1E000] =	vst v63  }
0x4e: {  	_ =	swait.ge [sflag:s6], $0x2800  }
0x4f: {  	[sflag:s6] =	ssyncset.done $0x0  }
0x50: {  	s22 =	rddreg [dreg:$0x10];
	[sflag:s6] =	ssyncadd.s32 $0xFFFFD800  }
0x51: {  	[spmem:s22] =	stream.linear.scatter [tilespmem:s1], [sflag:$0x5], $0x2800, $0x38;
	[tilespmem:$0x1E000] =	vst v63  }
0x52: {  	_ =	swait.ge [sflag:s6], $0x2800  }
0x53: {  	[sflag:s6] =	ssyncset.done $0x0  }
0x54: {  	s23 =	rddreg [dreg:$0x16];
	[sflag:s6] =	ssyncadd.s32 $0xFFFFD800  }
0x55: {  	[spmem:s23] =	stream.linear.scatter [tilespmem:s1], [sflag:$0x5], $0x2400, $0x38;
	[tilespmem:$0x1E000] =	vst v63  }
0x56: {  	_ =	swait.ge [sflag:s6], $0x2400  }
0x57: {  	[sflag:s6] =	ssyncset.done $0x0  }
0x58: {  	[sflag:s6] =	ssyncadd.s32 $0xFFFFDC00  }
0x59: {  	[bflag:$0x0] =	sbarrier.arrive $0xFFFF  }
0x5a: {  	[tilespmem:s16], [sflag:$0x3] =	stream.linear.gather [hbm4b:s13+s3], $0x50, $0x38;
	[tilespmem:$0x1E000] =	vst v63  }
0x5b: {  	s24 =	rddreg [dreg:$0xd]  }
0x5c: {  	[tilespmem:s29], [sflag:$0x3] =	stream.linear.gather [hbm4b:s30+s3], $0x50, $0x38;
	[tilespmem:$0x1E000] =	vst v63  }
0x5d: {  	s25 =	rddreg [dreg:$0xe]  }
0x5e: {  	[tilespmem:s18], [sflag:$0x2] =	stream.linear.gather [hbm4b:s24+s3], $0x2800, $0x38;
	[tilespmem:$0x1E000] =	vst v63  }
0x5f: {  	s17 =	rddreg [dreg:$0x11]  }
0x60: {  	[tilespmem:s26], [sflag:$0x3] =	stream.linear.gather [hbm4b:s19+s3], $0x50, $0x38;
	[tilespmem:$0x1E000] =	vst v63  }
0x61: {  	s15 =	rddreg [dreg:$0xf]  }
0x62: {  	[tilespmem:s31], [sflag:$0x3] =	stream.linear.gather [hbm4b:s0+s3], $0x50, $0x38;
	[tilespmem:$0x1E000] =	vst v63  }
0x63: {  	s23 =	rddreg [dreg:$0x14]  }
0x64: {  	[tilespmem:s17], [sflag:$0x2] =	stream.linear.gather [hbm4b:s25+s3], $0x2800, $0x38;
	[tilespmem:$0x1E000] =	vst v63  }
0x65: {  	s24 =	rddreg [dreg:$0x15];
	s25 =	smov.u32 s14  }
.LBB2_4:
0x66: {  	s20 =	rddreg [dreg:$0x6];
	s21 =	sadd.s32 $0xFFFFFFFD, s23  }
0x67: {  	p0 =	slt.u32 s21, s20  }
0x68: {  	s22 =	sadd.s32 $0xFFFFFFFF, s23;
	s20 =	simm.s32 @!p0 $0x4  }
0x69: {  	p1 =	sge.u32 s22, s28;
	_ =	swait.ge @!p0 [sflag:s20], $0x2800  }
0x6a: {  	s22 =	sand.u32 @!p1 $0x3, s22;
	[sflag:s20] =	ssyncset.done @!p0 $0x0  }
0x6b: {  	s17 =	simm.s32 @!p1 $0x0;
	[sflag:s20] =	ssyncadd.s32 @!p0 $0xFFFFD800;
	s20 =	sshll.u32 @!p1 s22, $0x7  }
0x6c: {  	[tilespmem:s20], [sflag:$0x3] =	stream.linear.gather @!p1 [hbm4b:s25+s17], $0x50, $0x38;
	[tilespmem:$0x1E000] =	vst v63  }
0x6d: {  	s22 =	smul.u32 @!p1 $0xA000, s22;
	s20 =	sor.u32 @!p1 $0x200, s20  }
0x6e: {  	[tilespmem:s20], [sflag:$0x3] =	stream.linear.gather @!p1 [hbm4b:s15+s17], $0x50, $0x38;
	[tilespmem:$0x1E000] =	vst v63  }
0x6f: {  	s20 =	sshrl.u32 @!p1 s22, $0x2  }
0x70: {  	s20 =	sor.u32 @!p1 $0x400, s20  }
0x71: {  	[tilespmem:s20], [sflag:$0x2] =	stream.linear.gather @!p1 [hbm4b:s24+s17], $0x2800, $0x38;
	[tilespmem:$0x1E000] =	vst v63  }
0x72: {  	_ =	swait.ge [sflag:s7], $0x2800  }
0x73: {  	[sflag:s7] =	ssyncset.done $0x0  }
0x74: {  	[sflag:s7] =	ssyncadd.s32 $0xFFFFD800  }
0x75: {  	_ =	swait.ge [sflag:s8], $0x50  }
0x76: {  	s17 =	sand.u32 $0x3, s21;
	[sflag:s8] =	ssyncset.done $0x0  }
0x77: {  	s20 =	smul.u32 $0xA000, s17;
	[sflag:s8] =	ssyncadd.s32 $0xFFFFFFB0  }
0x78: {  	p0 =	sle.u32 s21, s4;
	_ =	swait.ge [sflag:s8], $0x50  }
0x79: {  	s17 =	sshll.u32 s17, $0x7;
	s20 =	sshrl.u32 s20, $0x2;
	[sflag:s8] =	ssyncset.done $0x0  }
0x7a: {  	s20 =	sor.u32 $0x400, s20;
	s22 =	rddreg [dreg:$0x7];
	[sflag:s8] =	ssyncadd.s32 $0xFFFFFFB0  }
0x7b: {  	[tilespmem:s20], [sflag:$0x1] =	stream.indirect.gather.add.f32 [hbm:s22], $0x80, s17, s9, $0xb8;
	[tilespmem:$0x1E000] =	vst v63  }
0x7c: {  	s17 =	sand.u32 @!p0 $0x3, s23  }
0x7d: {  	s21 =	simm.s32 @!p0 $0x1;
	s20 =	smul.u32 @!p0 $0xA000, s17  }
0x7e: {  	s22 =	sadd.s32 $0xFFFFFFFE, s23;
	_ =	swait.ge @!p0 [sflag:s21], $0x2800;
	s17 =	sshll.u32 @!p0 s17, $0x7  }
0x7f: {  	[sflag:s21] =	ssyncset.done @!p0 $0x0;
	s17 =	sor.u32 @!p0 $0x200, s17;
	s20 =	sshrl.u32 @!p0 s20, $0x2  }
0x80: {  	[sflag:s21] =	ssyncadd.s32 @!p0 $0xFFFFD800;
	s21 =	simm.s32 @!p0 $0x50;
	s20 =	sor.u32 @!p0 $0x400, s20  }
0x81: {  	[spmem:s2] =	stream.indirect.scatter.add.f32 @!p0 [tilespmem:s20], [sflag:$0x4], $0x80, s17, s21, $0xb8;
	[tilespmem:$0x1E000] =	vst v63  }
0x82: {  	p0 =	slt.u32 s22, s28  }
.Ltmp1:
0x83: {  	_ = 	snop;
	(pc) =	sbr.rel @p0 .LBB2_4-.Ltmp1, $3  }
0x84: {  	_ =	sdelay $0x1  }
0x85: {  	s25 =	sadd.s32 $0xA, s25  }
0x86: {  	s15 =	sadd.s32 $0xA, s15;
	s24 =	sadd.s32 $0x500, s24;
	s23 =	sadd.s32 $0x1, s23  }
0x87: {  	_ =	swait.ge [sflag:s10], $0x2800  }
0x88: {  	[sflag:s10] =	ssyncset.done $0x0  }
0x89: {  	[sflag:s10] =	ssyncadd.s32 $0xFFFFD800  }
0x8a: {  	[spmem:s2] =	stream.indirect.scatter.add.f32 [tilespmem:s18], [sflag:$0x4], $0x80, s29, s9, $0xb8;
	[tilespmem:$0x1E000] =	vst v63  }
0x8b: {  	_ =	swait.ge [sflag:s11], $0x2800  }
0x8c: {  	[sflag:s11] =	ssyncset.done $0x0  }
0x8d: {  	[sflag:s11] =	ssyncadd.s32 $0xFFFFD800  }
0x8e: {  	_ =	swait.ge [sflag:s11], $0x2800  }
0x8f: {  	[sflag:s11] =	ssyncset.done $0x0  }
0x90: {  	s15 =	stileid.u32;
	[sflag:s11] =	ssyncadd.s32 $0xFFFFD800  }
0x91: {  	s15 =	sshll.u32 s15, $0x6;
	[bflag:$0x0] =	sbarrier.arrive $0xFFFF  }
0x92: {  	s17 =	sshrl.u32 s5, $0x3;
	s15 =	sor.u32 $0x1C05, s15;
	s20 =	rddreg [dreg:$0x12]  }
0x93: {  	[hbm:s20], [sflag:s15] =	dma.local [spmem:s17], $0x2780  }
0x94: {  	_ =	swait.ge [sflag:s6], $0x2780  }
0x95: {  	s12 =	sadd.s32 $0x1, s12;
	s25 =	rddreg [dreg:$0x13]  }
0x96: {  	p0 =	sne.s32 s12, s25  }
.Ltmp2:
0x97: {  	_ = 	snop;
	(pc) =	sbr.rel @p0 .LBB2_1-.Ltmp2, $3  }
0x98: {  	_ =	sdelay $0x1  }
0x99: {  	[sflag:s6] =	ssyncset.done $0x0  }
0x9a: {  	[sflag:s6] =	ssyncadd.s32 $0xFFFFD880  }
0x9b: {  	_ =	sfence.sel $0x180000  }
0x9c: {  	[bflag:$0x0] =	sbarrier.arrive $0xFFFF  }
0x9d: {  	_ =	strace $0x90000047  }
0x9e: {  	s0 =	stileid.u32;
	[bflag:$0x2] =	sbarrier.arrive $0xFFFF  }
0x9f: {  	p0 =	sne.s32 s0, $0x0;
	s0 =	rddreg [dreg:$0x5]  }
0xa0: {  	s0 =	sadd.s32 @!p0 $0x100000, s0  }
0xa1: {  	[sflag:s0] =	ssyncadd.tile.s32 @!p0 $0x1;
	_ =	shalt  }
.Lfunc_end2:
_tile_overlayer_lowered:
.L_overlay_start_2:
0xa2: {  	(tag) =	ssettag $0x2  }
0xa3: {  	s0 =	rddreg [dreg:$0x0];
	s2 =	stileid.u32  }
0xa4: {  	s1 =	rddreg [dreg:$0x1];
	p0 =	sne.s32 s2, $0x0  }
0xa5: {  	s3 =	rddreg [dreg:$0x2];
	[bflag:$0x3] =	sbarrier.arrive $0xFFFF;
	s2 =	simm.s32 @!p0 $0x1C05  }
0xa6: {  	[timem:s3], [sflag:s2] =	dma.local @!p0 [hbm:s0], s1  }
0xa7: {  	s0 =	simm.s32 @!p0 $0x5  }
0xa8: {  	_ =	swait.ge @!p0 [sflag:s0], s1  }
0xa9: {  	s1 =	ssub.s32 @!p0 $0x0, s1;
	[sflag:s0] =	ssyncset.done @!p0 $0x0  }
0xaa: {  	[sflag:s0] =	ssyncadd.s32 @!p0 s1  }
0xab: {  	[bflag:$0x3] =	sbarrier.arrive $0xFFFF  }
0xac: {  	_ =	shalt  }

</sc_bundles>
